<compile_context>
chip_gen: v7x
topology: tpu7x:2x2x1
jax: 0.10.2.dev20260603
libtpu: 0.0.44.dev20260713+nightly
codegen_flags: <defaults>
</compile_context>

<pallas_src>
import functools

import jax
import jax.numpy as jnp
from jax import lax
from jax.experimental import pallas as pl
from jax.experimental.pallas import tpu as pltpu
from jax.experimental.pallas import tpu_sc as plsc

DIM = 300
SEQ = 200
TOK = 180
BATCH = 1024
TILEW = 128
SEG = 3
TPAD = 184
IPAD = 192
SROWS = SEG * TPAD
HA, HB = 96, 88


@functools.lru_cache(maxsize=1)
def _make_sc_gather():
    info = plsc.get_sparse_core_info()
    nw = info.num_cores * info.num_subcores
    bpw = BATCH // nw
    mesh = plsc.VectorSubcoreMesh(core_axis_name="c", subcore_axis_name="s")

    @functools.partial(
        pl.kernel,
        mesh=mesh,
        out_type=jax.ShapeDtypeStruct((BATCH * SROWS, TILEW), jnp.float32),
        scratch_types=[
            pltpu.VMEM((IPAD,), jnp.int32),
            pltpu.VMEM((SROWS, TILEW), jnp.float32),
            pltpu.SemaphoreType.DMA,
            pltpu.SemaphoreType.DMA,
        ],
    )
    def gather_kernel(idx_hbm, table_hbm, tail_hbm, out_hbm,
                      iv, pkd, gsem, ssem):
        wid = lax.axis_index("s") * info.num_cores + lax.axis_index("c")
        b0 = wid * bpw
        views = (
            table_hbm.at[:, pl.ds(0, TILEW)],
            table_hbm.at[:, pl.ds(TILEW, TILEW)],
            tail_hbm,
        )

        def body(j, carry):
            pltpu.sync_copy(idx_hbm.at[pl.ds(IPAD * (b0 + j), IPAD)], iv)

            @pl.when(j >= 1)
            def _():
                pltpu.make_async_copy(
                    pkd, out_hbm.at[pl.ds(SROWS * b0, SROWS)], ssem).wait()

            descs = []
            for ct in range(SEG):
                for off, n in ((0, HA), (HA, HB)):
                    descs.append(pltpu.async_copy(
                        views[ct].at[iv.at[pl.ds(off, n)]],
                        pkd.at[pl.ds(TPAD * ct + off, n)], gsem))
            for d in descs:
                d.wait()
            pltpu.async_copy(
                pkd, out_hbm.at[pl.ds(SROWS * (b0 + j), SROWS)], ssem)
            return carry

        lax.fori_loop(0, bpw, body, 0)
        pltpu.make_async_copy(
            pkd, out_hbm.at[pl.ds(SROWS * b0, SROWS)], ssem).wait()

    return gather_kernel


def kernel(indices, table):
    idx = jnp.pad(indices, ((0, 0), (0, IPAD - TOK))).reshape(-1)
    tail = table[:, DIM - TILEW:]
    out = _make_sc_gather()(idx, table, tail)
    o = out.reshape(BATCH, SEG, TPAD, TILEW)
    emb = jnp.concatenate(
        [o[:, 0, :TOK], o[:, 1, :TOK],
         o[:, 2, :TOK, TILEW - (DIM - 2 * TILEW):]], axis=-1)
    return jnp.pad(emb, ((0, 0), (0, SEQ - TOK), (0, 0)))

# --- scband reference (transcript-rebuilt; emitter-appended) ---
"""Pipeline reference for scband-word2-vec-embedding-55963423867235 (READ-ONLY COPY).

The authoritative reference and input builder live on the scoring server;
editing this copy changes nothing except your own understanding.
"""

import jax, jax.numpy as jnp
import numpy as np

VOCAB = 1000000
DIM = 300
SEQ_SIZE = 200
BATCH = 1024
NUM_TOKENS = 180


def setup_inputs(seed: int = 0) -> dict:
    key = jax.random.key(seed)
    k1, k2 = jax.random.split(key)
    # The original forward takes a raw string and tokenizes it; here we model the
    # post-tokenization token indices directly (batched sentences of 180 tokens each).
    indices = jax.random.randint(k1, (BATCH, NUM_TOKENS), 0, VOCAB, dtype=jnp.int32)
    # word2vec embedding table (learned/pretrained parameter)
    table = jax.random.normal(k2, (VOCAB, DIM), dtype=jnp.float32) * 0.1
    return {"indices": indices, "table": table}


def reference(indices, table):
    # embedding lookup: stack of word vectors for each token
    emb = jnp.take(table, indices, axis=0)  # [B, NUM_TOKENS, DIM]
    pad = SEQ_SIZE - emb.shape[1]
    if pad > 0:
        out = jnp.pad(emb, ((0, 0), (0, pad), (0, 0)), mode="constant", constant_values=0.0)
    else:
        out = emb[:, :SEQ_SIZE, :]
    return out

if __name__ == "__main__":
    import jax
    _d = setup_inputs()
    print(jax.jit(kernel)(*tuple(_d.values())))

</pallas_src>

<mosaic_0001>
#map = affine_map<(d0, d1) -> (0)>
#map1 = affine_map<(d0, d1) -> (0, 0)>
module attributes {stable_mosaic.version = 14 : i64} {
  func.func @gather_kernel(%arg0: i32, %arg1: i32, %arg2: memref<196608xi32, #tpu.memory_space<hbm>>, %arg3: memref<1000000x300xf32, #tpu.memory_space<hbm>>, %arg4: memref<1000000x128xf32, #tpu.memory_space<hbm>>, %arg5: memref<565248x128xf32, #tpu.memory_space<hbm>>, %arg6: memref<192xi32, #tpu.memory_space<vmem>>, %arg7: memref<552x128xf32, #tpu.memory_space<vmem>>, %arg8: memref<!tpu.dma_semaphore, #tpu.memory_space<semaphore_mem>>, %arg9: memref<!tpu.dma_semaphore, #tpu.memory_space<semaphore_mem>>) attributes {dimension_semantics = [#tpu.dimension_semantics<core_parallel>, #tpu.dimension_semantics<subcore_parallel>], iteration_bounds = array<i64: 2, 16>, scalar_prefetch = 0 : i64, scratch_operands = 4 : i64, tpu.core_type = #tpu.core_type<sc_vector_subcore>, window_params = [{transform_indices = #map}, {transform_indices = #map1}, {transform_indices = #map1}, {transform_indices = #map1}]} {
    %mul3A = arith.constant 2 : i32
    %mul3A_0 = arith.muli %arg1, %mul3A : i32
    %add3A = arith.addi %mul3A_0, %arg0 : i32
    %mul3A_1 = arith.constant 32 : i32
    %mul3A_2 = arith.muli %add3A, %mul3A_1 : i32
    %scan3A = arith.constant 0 : i32
    %scan3A_3 = arith.constant 0 : i32
    %scan3A_4 = arith.constant 32 : i32
    %scan3A_5 = arith.addi %scan3A_3, %scan3A_4 : i32
    %scan3A_6 = arith.constant 1 : i32
    scf.for %scan3A_13 = %scan3A_3 to %scan3A_5 step %scan3A_6  : i32 {
      %add3A_14 = arith.addi %mul3A_2, %scan3A_13 : i32
      %mul3A_15 = arith.constant 192 : i32
      %mul3A_16 = arith.muli %mul3A_15, %add3A_14 : i32
      "tpu.region"() ({
        %run_scoped3A = tpu.sem_alloc : memref<!tpu.dma_semaphore, #tpu.memory_space<semaphore_mem>>
        %dma_start3A_145 = tpu.memref_slice %arg2[%mul3A_16] : memref<196608xi32, #tpu.memory_space<hbm>> -> memref<192xi32, #tpu.memory_space<hbm>>
        %dma_start3A_146 = tpu.memref_slice %arg2[%mul3A_16] : memref<196608xi32, #tpu.memory_space<hbm>> -> memref<192xi32, #tpu.memory_space<hbm>>
        tpu.enqueue_dma source(%dma_start3A_146 : memref<192xi32, #tpu.memory_space<hbm>>) target(%arg6 : memref<192xi32, #tpu.memory_space<vmem>>) target_semaphore(%run_scoped3A : memref<!tpu.dma_semaphore, #tpu.memory_space<semaphore_mem>>)
        %dma_wait3A_147 = tpu.memref_slice %arg2[%mul3A_16] : memref<196608xi32, #tpu.memory_space<hbm>> -> memref<192xi32, #tpu.memory_space<hbm>>
        %dma_wait3A_148 = tpu.memref_slice %arg2[%mul3A_16] : memref<196608xi32, #tpu.memory_space<hbm>> -> memref<192xi32, #tpu.memory_space<hbm>>
        tpu.wait_dma2 semaphore(%run_scoped3A : memref<!tpu.dma_semaphore, #tpu.memory_space<semaphore_mem>>) src(%dma_wait3A_148 : memref<192xi32, #tpu.memory_space<hbm>>) dst(%arg6 : memref<192xi32, #tpu.memory_space<vmem>>)
        tpu.yield
      }) : () -> ()
      %ge3A = arith.constant 1 : i32
      %ge3A_17 = arith.cmpi sge, %scan3A_13, %ge3A : i32
      %convert_element_type3A = arith.extui %ge3A_17 : i1 to i32
      %cond3A = arith.constant 0 : i32
      %cond3A_18 = arith.cmpi ne, %convert_element_type3A, %cond3A : i32
      scf.if %cond3A_18 {
        %mul3A_145 = arith.constant 552 : i32
        %mul3A_146 = arith.muli %mul3A_145, %mul3A_2 : i32
        %dma_wait3A_147 = arith.constant 0 : i32
        %dma_wait3A_148 = tpu.memref_slice %arg5[%mul3A_146, %dma_wait3A_147] : memref<565248x128xf32, #tpu.memory_space<hbm>> -> memref<552x128xf32, #tpu.memory_space<hbm>>
        %dma_wait3A_149 = arith.constant 0 : i32
        %dma_wait3A_150 = tpu.memref_slice %arg5[%mul3A_146, %dma_wait3A_149] : memref<565248x128xf32, #tpu.memory_space<hbm>> -> memref<552x128xf32, #tpu.memory_space<hbm>>
        tpu.wait_dma2 semaphore(%arg9 : memref<!tpu.dma_semaphore, #tpu.memory_space<semaphore_mem>>) src(%arg7 : memref<552x128xf32, #tpu.memory_space<vmem>>) dst(%dma_wait3A_150 : memref<552x128xf32, #tpu.memory_space<hbm>>)
      } else {
      }
      %dma_start3A = arith.constant 0 : i32
      %dma_start3A_19 = arith.constant 0 : i32
      %dma_start3A_20 = tpu.memref_slice %arg7[%dma_start3A, %dma_start3A_19] : memref<552x128xf32, #tpu.memory_space<vmem>> -> memref<96x128xf32, #tpu.memory_space<vmem>>
      %dma_start3A_21 = arith.constant 0 : i32
      %dma_start3A_22 = tpu.memref_slice %arg6[%dma_start3A_21] : memref<192xi32, #tpu.memory_space<vmem>> -> memref<96xi32, #tpu.memory_space<vmem>>
      %dma_start3A_23 = arith.constant 0 : i32
      %dma_start3A_24 = arith.constant 0 : i32
      %dma_start3A_25 = tpu.memref_slice %arg3[%dma_start3A_23, %dma_start3A_24] : memref<1000000x300xf32, #tpu.memory_space<hbm>> -> memref<1000000x128xf32, #tpu.memory_space<hbm>>
      %dma_start3A_26 = arith.constant 0 : i32
      %dma_start3A_27 = arith.constant 0 : i32
      %dma_start3A_28 = tpu.memref_slice %dma_start3A_25[%dma_start3A_26, %dma_start3A_27] : memref<1000000x128xf32, #tpu.memory_space<hbm>> -> memref<1000000x128xf32, #tpu.memory_space<hbm>>
      tpu.enqueue_indirect_dma source(%dma_start3A_28 : memref<1000000x128xf32, #tpu.memory_space<hbm>>) target(%dma_start3A_20 : memref<96x128xf32, #tpu.memory_space<vmem>>) offsets(%dma_start3A_22 : memref<96xi32, #tpu.memory_space<vmem>>) semaphore(%arg8 : memref<!tpu.dma_semaphore, #tpu.memory_space<semaphore_mem>>)
      %dma_start3A_29 = arith.constant 96 : i32
      %dma_start3A_30 = arith.constant 0 : i32
      %dma_start3A_31 = tpu.memref_slice %arg7[%dma_start3A_29, %dma_start3A_30] : memref<552x128xf32, #tpu.memory_space<vmem>> -> memref<88x128xf32, #tpu.memory_space<vmem>>
      %dma_start3A_32 = arith.constant 96 : i32
      %dma_start3A_33 = tpu.memref_slice %arg6[%dma_start3A_32] : memref<192xi32, #tpu.memory_space<vmem>> -> memref<88xi32, #tpu.memory_space<vmem>>
      %dma_start3A_34 = arith.constant 0 : i32
      %dma_start3A_35 = arith.constant 0 : i32
      %dma_start3A_36 = tpu.memref_slice %arg3[%dma_start3A_34, %dma_start3A_35] : memref<1000000x300xf32, #tpu.memory_space<hbm>> -> memref<1000000x128xf32, #tpu.memory_space<hbm>>
      %dma_start3A_37 = arith.constant 0 : i32
      %dma_start3A_38 = arith.constant 0 : i32
      %dma_start3A_39 = tpu.memref_slice %dma_start3A_36[%dma_start3A_37, %dma_start3A_38] : memref<1000000x128xf32, #tpu.memory_space<hbm>> -> memref<1000000x128xf32, #tpu.memory_space<hbm>>
      tpu.enqueue_indirect_dma source(%dma_start3A_39 : memref<1000000x128xf32, #tpu.memory_space<hbm>>) target(%dma_start3A_31 : memref<88x128xf32, #tpu.memory_space<vmem>>) offsets(%dma_start3A_33 : memref<88xi32, #tpu.memory_space<vmem>>) semaphore(%arg8 : memref<!tpu.dma_semaphore, #tpu.memory_space<semaphore_mem>>)
      %dma_start3A_40 = arith.constant 184 : i32
      %dma_start3A_41 = arith.constant 0 : i32
      %dma_start3A_42 = tpu.memref_slice %arg7[%dma_start3A_40, %dma_start3A_41] : memref<552x128xf32, #tpu.memory_space<vmem>> -> memref<96x128xf32, #tpu.memory_space<vmem>>
      %dma_start3A_43 = arith.constant 0 : i32
      %dma_start3A_44 = tpu.memref_slice %arg6[%dma_start3A_43] : memref<192xi32, #tpu.memory_space<vmem>> -> memref<96xi32, #tpu.memory_space<vmem>>
      %dma_start3A_45 = arith.constant 0 : i32
      %dma_start3A_46 = arith.constant 128 : i32
      %dma_start3A_47 = tpu.memref_slice %arg3[%dma_start3A_45, %dma_start3A_46] : memref<1000000x300xf32, #tpu.memory_space<hbm>> -> memref<1000000x128xf32, #tpu.memory_space<hbm>>
      %dma_start3A_48 = arith.constant 0 : i32
      %dma_start3A_49 = arith.constant 0 : i32
      %dma_start3A_50 = tpu.memref_slice %dma_start3A_47[%dma_start3A_48, %dma_start3A_49] : memref<1000000x128xf32, #tpu.memory_space<hbm>> -> memref<1000000x128xf32, #tpu.memory_space<hbm>>
      tpu.enqueue_indirect_dma source(%dma_start3A_50 : memref<1000000x128xf32, #tpu.memory_space<hbm>>) target(%dma_start3A_42 : memref<96x128xf32, #tpu.memory_space<vmem>>) offsets(%dma_start3A_44 : memref<96xi32, #tpu.memory_space<vmem>>) semaphore(%arg8 : memref<!tpu.dma_semaphore, #tpu.memory_space<semaphore_mem>>)
      %dma_start3A_51 = arith.constant 280 : i32
      %dma_start3A_52 = arith.constant 0 : i32
      %dma_start3A_53 = tpu.memref_slice %arg7[%dma_start3A_51, %dma_start3A_52] : memref<552x128xf32, #tpu.memory_space<vmem>> -> memref<88x128xf32, #tpu.memory_space<vmem>>
      %dma_start3A_54 = arith.constant 96 : i32
      %dma_start3A_55 = tpu.memref_slice %arg6[%dma_start3A_54] : memref<192xi32, #tpu.memory_space<vmem>> -> memref<88xi32, #tpu.memory_space<vmem>>
      %dma_start3A_56 = arith.constant 0 : i32
      %dma_start3A_57 = arith.constant 128 : i32
      %dma_start3A_58 = tpu.memref_slice %arg3[%dma_start3A_56, %dma_start3A_57] : memref<1000000x300xf32, #tpu.memory_space<hbm>> -> memref<1000000x128xf32, #tpu.memory_space<hbm>>
      %dma_start3A_59 = arith.constant 0 : i32
      %dma_start3A_60 = arith.constant 0 : i32
      %dma_start3A_61 = tpu.memref_slice %dma_start3A_58[%dma_start3A_59, %dma_start3A_60] : memref<1000000x128xf32, #tpu.memory_space<hbm>> -> memref<1000000x128xf32, #tpu.memory_space<hbm>>
      tpu.enqueue_indirect_dma source(%dma_start3A_61 : memref<1000000x128xf32, #tpu.memory_space<hbm>>) target(%dma_start3A_53 : memref<88x128xf32, #tpu.memory_space<vmem>>) offsets(%dma_start3A_55 : memref<88xi32, #tpu.memory_space<vmem>>) semaphore(%arg8 : memref<!tpu.dma_semaphore, #tpu.memory_space<semaphore_mem>>)
      %dma_start3A_62 = arith.constant 368 : i32
      %dma_start3A_63 = arith.constant 0 : i32
      %dma_start3A_64 = tpu.memref_slice %arg7[%dma_start3A_62, %dma_start3A_63] : memref<552x128xf32, #tpu.memory_space<vmem>> -> memref<96x128xf32, #tpu.memory_space<vmem>>
      %dma_start3A_65 = arith.constant 0 : i32
      %dma_start3A_66 = tpu.memref_slice %arg6[%dma_start3A_65] : memref<192xi32, #tpu.memory_space<vmem>> -> memref<96xi32, #tpu.memory_space<vmem>>
      %dma_start3A_67 = arith.constant 0 : i32
      %dma_start3A_68 = arith.constant 0 : i32
      %dma_start3A_69 = tpu.memref_slice %arg4[%dma_start3A_67, %dma_start3A_68] : memref<1000000x128xf32, #tpu.memory_space<hbm>> -> memref<1000000x128xf32, #tpu.memory_space<hbm>>
      tpu.enqueue_indirect_dma source(%dma_start3A_69 : memref<1000000x128xf32, #tpu.memory_space<hbm>>) target(%dma_start3A_64 : memref<96x128xf32, #tpu.memory_space<vmem>>) offsets(%dma_start3A_66 : memref<96xi32, #tpu.memory_space<vmem>>) semaphore(%arg8 : memref<!tpu.dma_semaphore, #tpu.memory_space<semaphore_mem>>)
      %dma_start3A_70 = arith.constant 464 : i32
      %dma_start3A_71 = arith.constant 0 : i32
      %dma_start3A_72 = tpu.memref_slice %arg7[%dma_start3A_70, %dma_start3A_71] : memref<552x128xf32, #tpu.memory_space<vmem>> -> memref<88x128xf32, #tpu.memory_space<vmem>>
      %dma_start3A_73 = arith.constant 96 : i32
      %dma_start3A_74 = tpu.memref_slice %arg6[%dma_start3A_73] : memref<192xi32, #tpu.memory_space<vmem>> -> memref<88xi32, #tpu.memory_space<vmem>>
      %dma_start3A_75 = arith.constant 0 : i32
      %dma_start3A_76 = arith.constant 0 : i32
      %dma_start3A_77 = tpu.memref_slice %arg4[%dma_start3A_75, %dma_start3A_76] : memref<1000000x128xf32, #tpu.memory_space<hbm>> -> memref<1000000x128xf32, #tpu.memory_space<hbm>>
      tpu.enqueue_indirect_dma source(%dma_start3A_77 : memref<1000000x128xf32, #tpu.memory_space<hbm>>) target(%dma_start3A_72 : memref<88x128xf32, #tpu.memory_space<vmem>>) offsets(%dma_start3A_74 : memref<88xi32, #tpu.memory_space<vmem>>) semaphore(%arg8 : memref<!tpu.dma_semaphore, #tpu.memory_space<semaphore_mem>>)
      %dma_wait3A_78 = arith.constant 0 : i32
      %dma_wait3A_79 = arith.constant 0 : i32
      %dma_wait3A_80 = tpu.memref_slice %arg7[%dma_wait3A_78, %dma_wait3A_79] : memref<552x128xf32, #tpu.memory_space<vmem>> -> memref<96x128xf32, #tpu.memory_space<vmem>>
      %dma_wait3A_81 = arith.constant 0 : i32
      %dma_wait3A_82 = tpu.memref_slice %arg6[%dma_wait3A_81] : memref<192xi32, #tpu.memory_space<vmem>> -> memref<96xi32, #tpu.memory_space<vmem>>
      %dma_wait3A_83 = arith.constant 0 : i32
      %dma_wait3A_84 = arith.constant 0 : i32
      %dma_wait3A_85 = tpu.memref_slice %arg3[%dma_wait3A_83, %dma_wait3A_84] : memref<1000000x300xf32, #tpu.memory_space<hbm>> -> memref<1000000x128xf32, #tpu.memory_space<hbm>>
      %dma_wait3A_86 = arith.constant 0 : i32
      %dma_wait3A_87 = arith.constant 0 : i32
      %dma_wait3A_88 = tpu.memref_slice %dma_wait3A_85[%dma_wait3A_86, %dma_wait3A_87] : memref<1000000x128xf32, #tpu.memory_space<hbm>> -> memref<1000000x128xf32, #tpu.memory_space<hbm>>
      tpu.wait_indirect_dma semaphore(%arg8 : memref<!tpu.dma_semaphore, #tpu.memory_space<semaphore_mem>>) src(%dma_wait3A_88 : memref<1000000x128xf32, #tpu.memory_space<hbm>>) dst(%dma_wait3A_80 : memref<96x128xf32, #tpu.memory_space<vmem>>)
      %dma_wait3A_89 = arith.constant 96 : i32
      %dma_wait3A_90 = arith.constant 0 : i32
      %dma_wait3A_91 = tpu.memref_slice %arg7[%dma_wait3A_89, %dma_wait3A_90] : memref<552x128xf32, #tpu.memory_space<vmem>> -> memref<88x128xf32, #tpu.memory_space<vmem>>
      %dma_wait3A_92 = arith.constant 96 : i32
      %dma_wait3A_93 = tpu.memref_slice %arg6[%dma_wait3A_92] : memref<192xi32, #tpu.memory_space<vmem>> -> memref<88xi32, #tpu.memory_space<vmem>>
      %dma_wait3A_94 = arith.constant 0 : i32
      %dma_wait3A_95 = arith.constant 0 : i32
      %dma_wait3A_96 = tpu.memref_slice %arg3[%dma_wait3A_94, %dma_wait3A_95] : memref<1000000x300xf32, #tpu.memory_space<hbm>> -> memref<1000000x128xf32, #tpu.memory_space<hbm>>
      %dma_wait3A_97 = arith.constant 0 : i32
      %dma_wait3A_98 = arith.constant 0 : i32
      %dma_wait3A_99 = tpu.memref_slice %dma_wait3A_96[%dma_wait3A_97, %dma_wait3A_98] : memref<1000000x128xf32, #tpu.memory_space<hbm>> -> memref<1000000x128xf32, #tpu.memory_space<hbm>>
      tpu.wait_indirect_dma semaphore(%arg8 : memref<!tpu.dma_semaphore, #tpu.memory_space<semaphore_mem>>) src(%dma_wait3A_99 : memref<1000000x128xf32, #tpu.memory_space<hbm>>) dst(%dma_wait3A_91 : memref<88x128xf32, #tpu.memory_space<vmem>>)
      %dma_wait3A_100 = arith.constant 184 : i32
      %dma_wait3A_101 = arith.constant 0 : i32
      %dma_wait3A_102 = tpu.memref_slice %arg7[%dma_wait3A_100, %dma_wait3A_101] : memref<552x128xf32, #tpu.memory_space<vmem>> -> memref<96x128xf32, #tpu.memory_space<vmem>>
      %dma_wait3A_103 = arith.constant 0 : i32
      %dma_wait3A_104 = tpu.memref_slice %arg6[%dma_wait3A_103] : memref<192xi32, #tpu.memory_space<vmem>> -> memref<96xi32, #tpu.memory_space<vmem>>
      %dma_wait3A_105 = arith.constant 0 : i32
      %dma_wait3A_106 = arith.constant 128 : i32
      %dma_wait3A_107 = tpu.memref_slice %arg3[%dma_wait3A_105, %dma_wait3A_106] : memref<1000000x300xf32, #tpu.memory_space<hbm>> -> memref<1000000x128xf32, #tpu.memory_space<hbm>>
      %dma_wait3A_108 = arith.constant 0 : i32
      %dma_wait3A_109 = arith.constant 0 : i32
      %dma_wait3A_110 = tpu.memref_slice %dma_wait3A_107[%dma_wait3A_108, %dma_wait3A_109] : memref<1000000x128xf32, #tpu.memory_space<hbm>> -> memref<1000000x128xf32, #tpu.memory_space<hbm>>
      tpu.wait_indirect_dma semaphore(%arg8 : memref<!tpu.dma_semaphore, #tpu.memory_space<semaphore_mem>>) src(%dma_wait3A_110 : memref<1000000x128xf32, #tpu.memory_space<hbm>>) dst(%dma_wait3A_102 : memref<96x128xf32, #tpu.memory_space<vmem>>)
      %dma_wait3A_111 = arith.constant 280 : i32
      %dma_wait3A_112 = arith.constant 0 : i32
      %dma_wait3A_113 = tpu.memref_slice %arg7[%dma_wait3A_111, %dma_wait3A_112] : memref<552x128xf32, #tpu.memory_space<vmem>> -> memref<88x128xf32, #tpu.memory_space<vmem>>
      %dma_wait3A_114 = arith.constant 96 : i32
      %dma_wait3A_115 = tpu.memref_slice %arg6[%dma_wait3A_114] : memref<192xi32, #tpu.memory_space<vmem>> -> memref<88xi32, #tpu.memory_space<vmem>>
      %dma_wait3A_116 = arith.constant 0 : i32
      %dma_wait3A_117 = arith.constant 128 : i32
      %dma_wait3A_118 = tpu.memref_slice %arg3[%dma_wait3A_116, %dma_wait3A_117] : memref<1000000x300xf32, #tpu.memory_space<hbm>> -> memref<1000000x128xf32, #tpu.memory_space<hbm>>
      %dma_wait3A_119 = arith.constant 0 : i32
      %dma_wait3A_120 = arith.constant 0 : i32
      %dma_wait3A_121 = tpu.memref_slice %dma_wait3A_118[%dma_wait3A_119, %dma_wait3A_120] : memref<1000000x128xf32, #tpu.memory_space<hbm>> -> memref<1000000x128xf32, #tpu.memory_space<hbm>>
      tpu.wait_indirect_dma semaphore(%arg8 : memref<!tpu.dma_semaphore, #tpu.memory_space<semaphore_mem>>) src(%dma_wait3A_121 : memref<1000000x128xf32, #tpu.memory_space<hbm>>) dst(%dma_wait3A_113 : memref<88x128xf32, #tpu.memory_space<vmem>>)
      %dma_wait3A_122 = arith.constant 368 : i32
      %dma_wait3A_123 = arith.constant 0 : i32
      %dma_wait3A_124 = tpu.memref_slice %arg7[%dma_wait3A_122, %dma_wait3A_123] : memref<552x128xf32, #tpu.memory_space<vmem>> -> memref<96x128xf32, #tpu.memory_space<vmem>>
      %dma_wait3A_125 = arith.constant 0 : i32
      %dma_wait3A_126 = tpu.memref_slice %arg6[%dma_wait3A_125] : memref<192xi32, #tpu.memory_space<vmem>> -> memref<96xi32, #tpu.memory_space<vmem>>
      %dma_wait3A_127 = arith.constant 0 : i32
      %dma_wait3A_128 = arith.constant 0 : i32
      %dma_wait3A_129 = tpu.memref_slice %arg4[%dma_wait3A_127, %dma_wait3A_128] : memref<1000000x128xf32, #tpu.memory_space<hbm>> -> memref<1000000x128xf32, #tpu.memory_space<hbm>>
      tpu.wait_indirect_dma semaphore(%arg8 : memref<!tpu.dma_semaphore, #tpu.memory_space<semaphore_mem>>) src(%dma_wait3A_129 : memref<1000000x128xf32, #tpu.memory_space<hbm>>) dst(%dma_wait3A_124 : memref<96x128xf32, #tpu.memory_space<vmem>>)
      %dma_wait3A_130 = arith.constant 464 : i32
      %dma_wait3A_131 = arith.constant 0 : i32
      %dma_wait3A_132 = tpu.memref_slice %arg7[%dma_wait3A_130, %dma_wait3A_131] : memref<552x128xf32, #tpu.memory_space<vmem>> -> memref<88x128xf32, #tpu.memory_space<vmem>>
      %dma_wait3A_133 = arith.constant 96 : i32
      %dma_wait3A_134 = tpu.memref_slice %arg6[%dma_wait3A_133] : memref<192xi32, #tpu.memory_space<vmem>> -> memref<88xi32, #tpu.memory_space<vmem>>
      %dma_wait3A_135 = arith.constant 0 : i32
      %dma_wait3A_136 = arith.constant 0 : i32
      %dma_wait3A_137 = tpu.memref_slice %arg4[%dma_wait3A_135, %dma_wait3A_136] : memref<1000000x128xf32, #tpu.memory_space<hbm>> -> memref<1000000x128xf32, #tpu.memory_space<hbm>>
      tpu.wait_indirect_dma semaphore(%arg8 : memref<!tpu.dma_semaphore, #tpu.memory_space<semaphore_mem>>) src(%dma_wait3A_137 : memref<1000000x128xf32, #tpu.memory_space<hbm>>) dst(%dma_wait3A_132 : memref<88x128xf32, #tpu.memory_space<vmem>>)
      %add3A_138 = arith.addi %mul3A_2, %scan3A_13 : i32
      %mul3A_139 = arith.constant 552 : i32
      %mul3A_140 = arith.muli %mul3A_139, %add3A_138 : i32
      %dma_start3A_141 = arith.constant 0 : i32
      %dma_start3A_142 = tpu.memref_slice %arg5[%mul3A_140, %dma_start3A_141] : memref<565248x128xf32, #tpu.memory_space<hbm>> -> memref<552x128xf32, #tpu.memory_space<hbm>>
      %dma_start3A_143 = arith.constant 0 : i32
      %dma_start3A_144 = tpu.memref_slice %arg5[%mul3A_140, %dma_start3A_143] : memref<565248x128xf32, #tpu.memory_space<hbm>> -> memref<552x128xf32, #tpu.memory_space<hbm>>
      tpu.enqueue_dma source(%arg7 : memref<552x128xf32, #tpu.memory_space<vmem>>) target(%dma_start3A_144 : memref<552x128xf32, #tpu.memory_space<hbm>>) target_semaphore(%arg9 : memref<!tpu.dma_semaphore, #tpu.memory_space<semaphore_mem>>)
    }
    %scan3A_7 = arith.constant 32 : i32
    %mul3A_8 = arith.constant 552 : i32
    %mul3A_9 = arith.muli %mul3A_8, %mul3A_2 : i32
    %dma_wait3A = arith.constant 0 : i32
    %dma_wait3A_10 = tpu.memref_slice %arg5[%mul3A_9, %dma_wait3A] : memref<565248x128xf32, #tpu.memory_space<hbm>> -> memref<552x128xf32, #tpu.memory_space<hbm>>
    %dma_wait3A_11 = arith.constant 0 : i32
    %dma_wait3A_12 = tpu.memref_slice %arg5[%mul3A_9, %dma_wait3A_11] : memref<565248x128xf32, #tpu.memory_space<hbm>> -> memref<552x128xf32, #tpu.memory_space<hbm>>
    tpu.wait_dma2 semaphore(%arg9 : memref<!tpu.dma_semaphore, #tpu.memory_space<semaphore_mem>>) src(%arg7 : memref<552x128xf32, #tpu.memory_space<vmem>>) dst(%dma_wait3A_12 : memref<552x128xf32, #tpu.memory_space<hbm>>)
    return
  }
}

</mosaic_0001>

<sc_bundles>
// kernel: kernel.3.cloned.1.call-start
scs
__scs_entry_jumppad:
0x0: {  	(pc) =	sbr.rel $0x88, $3  }
0x1: {  	(tag) =	ssettag $0x0;
	lr =	simm.s32 $0x1  }
0x2: {  	[smem:$0x3F9F] =	sst lr;
	_ =	strace $0xD0000000  }
0x3: {  	_ = 	snop  }
0x4: {  	_ = 	snop  }
0x5: {  	_ = 	snop  }
0x6: {  	_ = 	snop  }
0x7: {  	_ = 	snop  }
__scs_overlays_trampoline_lowered:
0x8: {  	[smem:$0x3FAE] =	sst s0  }
0x9: {  	[smem:$0x3FAF] =	sst s1  }
0xa: {  	[smem:$0x3FB0] =	sst s2  }
0xb: {  	[smem:$0x3FB1] =	sst s3  }
0xc: {  	[smem:$0x3FB2] =	sst s4  }
0xd: {  	[smem:$0x3FB3] =	sst s5  }
0xe: {  	[smem:$0x3FB4] =	sst s6  }
0xf: {  	[smem:$0x3FB5] =	sst s7  }
0x10: {  	[smem:$0x3FB6] =	sst s8  }
0x11: {  	[smem:$0x3FB7] =	sst s9;
	s0 =	simm.s32 @!p0 $0x0  }
0x12: {  	s1 =	sld [smem:$0x3F9D];
	s0 =	simm.s32 @p0 $0x1  }
0x13: {  	[smem:$0x3FB8] =	sst s0;
	s0 =	simm.s32 @!p1 $0x0  }
0x14: {  	s2 =	sld [smem:$0x3F9C];
	s0 =	simm.s32 @p1 $0x1  }
0x15: {  	[smem:$0x3FB9] =	sst s0;
	s0 =	simm.s32 @!p2 $0x0  }
0x16: {  	s3 =	sld [smem:$0x3FDB];
	s0 =	simm.s32 @p2 $0x1  }
0x17: {  	s4 =	simm.s32 $0x1BF5;
	[smem:$0x3FBB] =	sst s0  }
0x18: {  	s0 =	sld [smem:$0x3F9E];
	_ =	swait.ge [sflag:s4], $0x0  }
0x19: {  	s7 =	sld [smem:$0x3F9F]  }
0x1a: {  	s8 =	sadd.s32 $0xFFFFE003, lr  }
0x1b: {  	s9 =	sadd.s32 $0xFFFFFEF7, lr;
	s5 =	simm.s32 $0xFFFFFFFF;
	p2 =	slt.u32 s8, $0xFFFFF086  }
0x1c: {  	p1 =	slt.u32 s9, $0xF7A;
	s5 =	simm.s32 @!p2 $0x0  }
0x1d: {  	s5 =	simm.s32 @p1 $0x1;
	p0 =	seq.s32 s7, s2  }
0x1e: {  	s7 =	smul.u32 @!p0 $0xF7A, s2;
	p2 =	seq.s32 @!p0 s5, $0x0  }
0x1f: {  	s9 =	smul.u32 $0xF7A, s1;
	s8 =	simm.s32 @!p0 $0x1BF5;
	p2 =	por !p2, p0  }
0x20: {  	[sflag:s8] =	ssyncset.s32 @!p0 $0xFFFFF086;
	s6 =	sadd.s32 @!p0 s3, s7;
	s7 =	simm.s32 @!p0 $0x108  }
0x21: {  	s3 =	sadd.s32 s3, s9;
	s6 =	sadd.s32 @!p0 $0x88, s6;
	s7 =	simm.s32 @p2 $0x1082  }
0x22: {  	[simem:s7], [sflag:s8] =	dma.local @!p0 [hbm:s6], $0xF7A  }
0x23: {  	s9 =	sor.u32 $0xD0000000, s2;
	s6 =	simm.s32 $0x108;
	_ =	swait.ge @!p0 [sflag:s8], $0x0  }
0x24: {  	s3 =	sadd.s32 $0x88, s3;
	s6 =	simm.s32 @!p1 $0x1082;
	[sflag:s4] =	ssyncset.s32 $0xFFFFF086  }
0x25: {  	[simem:s6], [sflag:s4] =	dma.local [hbm:s3], $0xF7A  }
0x26: {  	[smem:$0x3F9F] =	sst s1;
	(tag) =	ssettag s2;
	_ =	strace s9  }
0x27: {  	s1 =	sld [smem:$0x3FAF]  }
0x28: {  	s2 =	sld [smem:$0x3FB0]  }
0x29: {  	s4 =	sld [smem:$0x3FB2]  }
0x2a: {  	p0 =	seq.s32 s5, $0x0;
	s5 =	sld [smem:$0x3FB3]  }
0x2b: {  	s6 =	sld [smem:$0x3FB4]  }
0x2c: {  	s7 =	sld [smem:$0x3FB5]  }
0x2d: {  	s3 =	simm.s32 $0x108;
	s8 =	sld [smem:$0x3FB6]  }
0x2e: {  	s3 =	simm.s32 @!p0 $0x1082;
	s9 =	sld [smem:$0x3FB7]  }
0x2f: {  	lr =	sadd.s32 s0, s3;
	s0 =	sld [smem:$0x3FAE]  }
0x30: {  	s3 =	sld [smem:$0x3FB1]  }
0x31: {  	[smem:$0x3FBA] =	sst s10  }
0x32: {  	s10 =	sld [smem:$0x3FB8];
	_ =	sdelay $0x3  }
0x33: {  	p0 =	seq.s32 s10, $0x1;
	s10 =	sld [smem:$0x3FBA];
	_ =	sdelay $0x3  }
0x34: {  	[smem:$0x3FBA] =	sst s10  }
0x35: {  	s10 =	sld [smem:$0x3FB9];
	_ =	sdelay $0x3  }
0x36: {  	p1 =	seq.s32 s10, $0x1;
	s10 =	sld [smem:$0x3FBA];
	_ =	sdelay $0x3  }
0x37: {  	[smem:$0x3FBA] =	sst s10  }
0x38: {  	s10 =	sld [smem:$0x3FBB]  }
0x39: {  	_ = 	snop;
	(pc) =	sbr.ind lr, $3  }
0x3a: {  	_ = 	snop  }
0x3b: {  	_ = 	snop  }
0x3c: {  	p2 =	seq.s32 s10, $0x1;
	s10 =	sld [smem:$0x3FBA]  }
0x3d: {  	_ =	shalt  }
0x3e: {  	_ =	shalt  }
0x3f: {  	_ =	shalt  }
0x40: {  	_ =	shalt  }
0x41: {  	_ =	shalt  }
0x42: {  	_ =	shalt  }
0x43: {  	_ =	shalt  }
0x44: {  	_ =	shalt  }
0x45: {  	_ =	shalt  }
0x46: {  	_ =	shalt  }
0x47: {  	_ =	shalt  }
0x48: {  	_ =	shalt  }
0x49: {  	_ =	shalt  }
0x4a: {  	_ =	shalt  }
0x4b: {  	_ =	shalt  }
0x4c: {  	_ =	shalt  }
0x4d: {  	_ =	shalt  }
0x4e: {  	_ =	shalt  }
0x4f: {  	_ =	shalt  }
0x50: {  	_ =	shalt  }
0x51: {  	_ =	shalt  }
0x52: {  	_ =	shalt  }
0x53: {  	_ =	shalt  }
0x54: {  	_ =	shalt  }
0x55: {  	_ =	shalt  }
0x56: {  	_ =	shalt  }
0x57: {  	_ =	shalt  }
0x58: {  	_ =	shalt  }
0x59: {  	_ =	shalt  }
0x5a: {  	_ =	shalt  }
0x5b: {  	_ =	shalt  }
0x5c: {  	_ =	shalt  }
0x5d: {  	_ =	shalt  }
0x5e: {  	_ =	shalt  }
0x5f: {  	_ =	shalt  }
0x60: {  	_ =	shalt  }
0x61: {  	_ =	shalt  }
0x62: {  	_ =	shalt  }
0x63: {  	_ =	shalt  }
0x64: {  	_ =	shalt  }
0x65: {  	_ =	shalt  }
0x66: {  	_ =	shalt  }
0x67: {  	_ =	shalt  }
0x68: {  	_ =	shalt  }
0x69: {  	_ =	shalt  }
0x6a: {  	_ =	shalt  }
0x6b: {  	_ =	shalt  }
0x6c: {  	_ =	shalt  }
0x6d: {  	_ =	shalt  }
0x6e: {  	_ =	shalt  }
0x6f: {  	_ =	shalt  }
0x70: {  	_ =	shalt  }
0x71: {  	_ =	shalt  }
0x72: {  	_ =	shalt  }
0x73: {  	_ =	shalt  }
0x74: {  	_ =	shalt  }
0x75: {  	_ =	shalt  }
0x76: {  	_ =	shalt  }
0x77: {  	_ =	shalt  }
0x78: {  	_ =	shalt  }
0x79: {  	_ =	shalt  }
0x7a: {  	_ =	shalt  }
0x7b: {  	_ =	shalt  }
0x7c: {  	_ =	shalt  }
0x7d: {  	_ =	shalt  }
0x7e: {  	_ =	shalt  }
0x7f: {  	_ =	shalt  }
0x80: {  	_ =	shalt  }
0x81: {  	_ =	shalt  }
0x82: {  	_ =	shalt  }
0x83: {  	_ =	shalt  }
0x84: {  	_ =	shalt  }
0x85: {  	_ =	shalt  }
0x86: {  	_ =	shalt  }
0x87: {  	_ =	shalt  }
.Lfunc_end0:
.L_simem_size_0:
called_computation_lowered:
.L_overlay_start_0:
0x88: {  	s2 =	sld [smem:$0x3FD9]  }
0x89: {  	s3 =	sld [smem:$0x3FFE];
	_ =	sdelay $0x1  }
0x8a: {  	s1 =	srdreg.scid  }
0x8b: {  	s0 =	sand.u32 $0x1, s1  }
0x8c: {  	s17 =	sshll.u32 s0, $0xA;
	s2 =	sadd.s32 s3, s2  }
0x8d: {  	s2 =	sadd.s32 s2, s17  }
0x8e: {  	[smem:$0x3FC6] =	sst s2  }
0x8f: {  	_ = 	snop  }
0x90: {  	s2 =	sld [smem:$0x3FD0];
	(tm) =	ssettm $0x1  }
0x91: {  	s18 =	sld [smem:$0x3FFB];
	_ =	sdelay $0x3  }
0x92: {  	_ =	strace s18  }
0x93: {  	s3 =	sld [smem:$0x3FFC];
	_ =	sdelay $0x3  }
0x94: {  	_ =	strace s3  }
0x95: {  	s3 =	sld [smem:$0x3FFD];
	_ =	sdelay $0x3  }
0x96: {  	_ =	strace s3  }
0x97: {  	_ =	strace $0x8FFFFFFF  }
0x98: {  	s19 =	sld [smem:$0x3FDB];
	_ =	sdelay $0x1  }
0x99: {  	s4 =	simm.s32 $_scs_section_size  }
0x9a: {  	s5 =	simm.s32 $_size__tile_overlayer_lowered;
	s6 =	simm.s32 $_tile_overlayer_lowered  }
0x9b: {  	s22 =	simm.s32 $0x1BFF;
	s21 =	sshll.u32 s6, $0x1;
	s3 =	sadd.s32 s4, s19  }
0x9c: {  	s7 =	simm.s32 $0x0;
	s20 =	sshll.u32 s5, $0x1;
	s5 =	sadd.s32 s21, s3  }
0x9d: {  	[timem:s7], [sflag:s22] =	dma.local [hbm:s5], s20  }
0x9e: {  	_ =	swait.ge [sflag:s22], s20  }
0x9f: {  	s4 =	ssub.s32 $0x0, s20;
	[sflag:s22] =	ssyncset.done $0x0  }
0xa0: {  	[sflag:s22] =	ssyncadd.s32 s4;
	_ =	sdelay $0x1  }
0xa1: {  	s23 =	simm.s32 $0x1B8B  }
0xa2: {  	_ =	swait.ge [sflag:s23], $0x1  }
0xa3: {  	[sflag:s23] =	ssyncset.done $0x0  }
0xa4: {  	s25 =	simm.s32 $0x1B8E;
	s24 =	sld [smem:$0x3FFE];
	[sflag:s23] =	ssyncadd.s32 $0xFFFFFFFF  }
0xa5: {  	s26 =	simm.s32 $execute0_lowered;
	[smem:$0x3FD2] =	sst s25  }
0xa6: {  	s5 =	sshll.u32 s26, $0x1;
	_ =	strace $0x80000046;
	[dreg:$0x1] =	wrdreg $0xFFFFFFFF  }
0xa7: {  	s28 =	simm.s32 $_size_execute0_lowered;
	s3 =	sadd.s32 s3, s5;
	[dreg:$0x0] =	wrdreg $0x0  }
0xa8: {  	s5 =	sshll.u32 s28, $0x1;
	[dreg:$0x2] =	wrdreg s3  }
0xa9: {  	[dreg:$0x3] =	wrdreg s5  }
0xaa: {  	[dreg:$0x4] =	wrdreg $0xC0  }
0xab: {  	_ =	task [dreg:s7], $0x5FFFF  }
0xac: {  	[dreg:$0x1] =	wrdreg $0xFFFFFFFF  }
0xad: {  	[dreg:$0x0] =	wrdreg $0x60  }
0xae: {  	[dreg:$0x2] =	wrdreg s2  }
0xaf: {  	[dreg:$0x3] =	wrdreg s24  }
0xb0: {  	[dreg:$0x4] =	wrdreg $0x9  }
0xb1: {  	_ =	task.clear_ibuf [dreg:s7], $0x5FFFF;
	_ =	strace $0x90000046  }
0xb2: {  	s29 =	simm.s32 $0x9;
	_ =	strace $0x80000048  }
0xb3: {  	_ =	swait.ge [sflag:s29], $0x1  }
0xb4: {  	[sflag:s29] =	ssyncadd.s32 $0xFFFFFFFF  }
0xb5: {  	_ =	strace $0x90000048  }
0xb6: {  	_ =	sfence  }
0xb7: {  	s30 =	sld [smem:$0x0];
	_ =	sdelay $0x2  }
0xb8: {  	s31 =	sshll.u32 s1, $0xD;
	s1 =	sshrl.u32 s1, $0x2  }
0xb9: {  	s3 =	sand.u32 $0x4000, s31;
	s1 =	sadd.s32 s1, s30  }
0xba: {  	s0 =	sor.u32 s3, s0;
	s1 =	sshll.u32 s1, $0x11  }
0xbb: {  	s0 =	sor.u32 s1, s0  }
0xbc: {  	s0 =	sadd.s32 $0x8F2B, s0  }
0xbd: {  	[sflag:s0] =	ssyncadd.remote.s32 $0x1  }
0xbe: {  	_ =	sfence.sel $0xFFFF  }
0xbf: {  	[dreg:$0x0] =	wrdreg $0xFFFFFFFF;
	(pc) =	sbr.abs _section_cstart, $3  }
0xc0: {  	[dreg:$0x1] =	wrdreg $0xFFFFFFFF  }
0xc1: {  	_ =	task.clear_ibuf [dreg:s7], $0x2FFFF;
	_ =	strace $0x9FFFFFFF  }
0xc2: {  	(tm) =	ssettm $0x7FFFFFFF  }
0xc3: {  	_ =	shalt  }
tec
execute0_lowered:
.L_overlay_start_1:
0x0: {  	(tag) =	ssettag $0x1  }
0x1: {  	s3 =	rddreg [dreg:$0x0]  }
0x2: {  	s1 =	rddreg [dreg:$0x1];
	s2 =	simm.s32 $0x0  }
0x3: {  	s20 =	simm.s32 $0x180;
	[smem:$0x7FF] =	sst s2  }
0x4: {  	s21 =	simm.s32 $0x200;
	_ =	strace $0x80000047;
	[dreg:$0x4] =	wrdreg s20  }
0x5: {  	s22 =	simm.s32 $0x280;
	[dreg:$0x5] =	wrdreg s21  }
0x6: {  	s23 =	simm.s32 $0x300;
	[dreg:$0x6] =	wrdreg s22  }
0x7: {  	s24 =	simm.s32 $0x380;
	[dreg:$0x7] =	wrdreg s23  }
0x8: {  	s25 =	simm.s32 $0x400;
	[dreg:$0x8] =	wrdreg s24  }
0x9: {  	s26 =	simm.s32 $0x480;
	[dreg:$0x9] =	wrdreg s25  }
0xa: {  	s7 =	simm.s32 $0x600;
	[dreg:$0xa] =	wrdreg s26  }
0xb: {  	s8 =	simm.s32 $0x680;
	[dreg:$0xd] =	wrdreg s7  }
0xc: {  	s9 =	simm.s32 $0x700;
	[dreg:$0xe] =	wrdreg s8  }
0xd: {  	s10 =	simm.s32 $0x780;
	[dreg:$0xf] =	wrdreg s9  }
0xe: {  	s11 =	simm.s32 $0x800;
	[dreg:$0x10] =	wrdreg s10  }
0xf: {  	s12 =	simm.s32 $0x880;
	[dreg:$0x11] =	wrdreg s11  }
0x10: {  	s13 =	simm.s32 $0x900;
	[dreg:$0x12] =	wrdreg s12  }
0x11: {  	s14 =	simm.s32 $0x980;
	[dreg:$0x13] =	wrdreg s13  }
0x12: {  	s15 =	simm.s32 $0xA00;
	[dreg:$0x14] =	wrdreg s14  }
0x13: {  	s16 =	simm.s32 $0xA80;
	[dreg:$0x15] =	wrdreg s15  }
0x14: {  	s17 =	simm.s32 $0xB00;
	[dreg:$0x16] =	wrdreg s16  }
0x15: {  	s18 =	simm.s32 $0xB80;
	[dreg:$0x17] =	wrdreg s17  }
0x16: {  	s19 =	simm.s32 $0xC00;
	[dreg:$0x18] =	wrdreg s18  }
0x17: {  	[dreg:$0x19] =	wrdreg s19;
	s20 =	simm.s32 $0xC80  }
0x18: {  	s21 =	simm.s32 $0xD00;
	[dreg:$0x1a] =	wrdreg s20  }
0x19: {  	s22 =	simm.s32 $0xD80;
	[dreg:$0x1b] =	wrdreg s21  }
0x1a: {  	s23 =	simm.s32 $0xE00;
	[dreg:$0x1c] =	wrdreg s22  }
0x1b: {  	s24 =	simm.s32 $0xE80;
	[dreg:$0x1d] =	wrdreg s23  }
0x1c: {  	s25 =	simm.s32 $0xF00;
	[dreg:$0x1e] =	wrdreg s24  }
0x1d: {  	s26 =	simm.s32 $0xF80;
	[dreg:$0x1f] =	wrdreg s25  }
0x1e: {  	s7 =	simm.s32 $0x1100;
	[smem:$0x6B7] =	sst s26  }
0x1f: {  	s8 =	simm.s32 $0x1180;
	[smem:$0x6BA] =	sst s7  }
0x20: {  	s9 =	simm.s32 $0x1200;
	[smem:$0x6BB] =	sst s8  }
0x21: {  	s10 =	simm.s32 $0x1280;
	[smem:$0x6BC] =	sst s9  }
0x22: {  	s11 =	simm.s32 $0x1300;
	[smem:$0x6BD] =	sst s10  }
0x23: {  	s12 =	simm.s32 $0x1380;
	[smem:$0x6BE] =	sst s11  }
0x24: {  	s13 =	simm.s32 $0x1400;
	[smem:$0x6BF] =	sst s12  }
0x25: {  	s14 =	simm.s32 $0x1480;
	[smem:$0x6C0] =	sst s13  }
0x26: {  	s15 =	simm.s32 $0x1500;
	[smem:$0x6C1] =	sst s14  }
0x27: {  	s16 =	simm.s32 $0x1580;
	[smem:$0x6C2] =	sst s15  }
0x28: {  	s6 =	stileid.u32;
	s17 =	simm.s32 $0x1600;
	[smem:$0x6C3] =	sst s16  }
0x29: {  	s4 =	smul.u32 $0x600, s6;
	s18 =	simm.s32 $0x1680;
	[smem:$0x6C4] =	sst s17  }
0x2a: {  	s19 =	simm.s32 $0x1700;
	[smem:$0x6C5] =	sst s18  }
0x2b: {  	s3 =	sadd.s32 s4, s3;
	s4 =	simm.s32 $0x500;
	[smem:$0x6C6] =	sst s19  }
0x2c: {  	s20 =	simm.s32 $0x1780;
	[dreg:$0xb] =	wrdreg s4  }
0x2d: {  	s21 =	simm.s32 $0x1800;
	[smem:$0x6C7] =	sst s20  }
0x2e: {  	s22 =	simm.s32 $0x1880;
	[smem:$0x6C8] =	sst s21  }
0x2f: {  	s23 =	simm.s32 $0x1900;
	[smem:$0x6C9] =	sst s22  }
0x30: {  	s24 =	simm.s32 $0x1980;
	[smem:$0x6CA] =	sst s23  }
0x31: {  	s25 =	simm.s32 $0x1A00;
	[smem:$0x6CB] =	sst s24  }
0x32: {  	s26 =	simm.s32 $0x1A80;
	[smem:$0x6CC] =	sst s25  }
0x33: {  	s7 =	simm.s32 $0x1C00;
	[smem:$0x6CD] =	sst s26  }
0x34: {  	s8 =	simm.s32 $0x1C80;
	[smem:$0x6D0] =	sst s7  }
0x35: {  	s9 =	simm.s32 $0x1D00;
	[smem:$0x6D1] =	sst s8  }
0x36: {  	s10 =	simm.s32 $0x1D80;
	[smem:$0x6D2] =	sst s9  }
0x37: {  	s11 =	simm.s32 $0x1E00;
	[smem:$0x6D3] =	sst s10  }
0x38: {  	s12 =	simm.s32 $0x1E80;
	[smem:$0x6D4] =	sst s11  }
0x39: {  	s13 =	simm.s32 $0x1F00;
	[smem:$0x6D5] =	sst s12  }
0x3a: {  	s14 =	simm.s32 $0x1F80;
	[smem:$0x6D6] =	sst s13  }
0x3b: {  	s15 =	simm.s32 $0x2000;
	[smem:$0x6D7] =	sst s14  }
0x3c: {  	s0 =	srdreg.scid;
	s16 =	simm.s32 $0x2080;
	[smem:$0x6D8] =	sst s15  }
0x3d: {  	s0 =	sand.u32 $0x1, s0;
	s17 =	simm.s32 $0x2100;
	[smem:$0x6D9] =	sst s16  }
0x3e: {  	s5 =	smul.u32 $0x300, s0;
	s18 =	simm.s32 $0x2180;
	[smem:$0x6DA] =	sst s17  }
0x3f: {  	s19 =	simm.s32 $0x2200;
	[smem:$0x6DB] =	sst s18  }
0x40: {  	s3 =	sadd.s32 s5, s3;
	[smem:$0x6DC] =	sst s19  }
0x41: {  	s5 =	simm.s32 $0x580;
	[dreg:$0x3] =	wrdreg s3  }
0x42: {  	s4 =	simm.s32 $0x1000;
	[dreg:$0xc] =	wrdreg s5  }
0x43: {  	s20 =	simm.s32 $0x2280;
	[smem:$0x6B8] =	sst s4  }
0x44: {  	s21 =	simm.s32 $0x2300;
	[smem:$0x6DD] =	sst s20  }
0x45: {  	s22 =	simm.s32 $0x2380;
	[smem:$0x6DE] =	sst s21  }
0x46: {  	s23 =	simm.s32 $0x2400;
	[smem:$0x6DF] =	sst s22  }
0x47: {  	s24 =	simm.s32 $0x2480;
	[smem:$0x6E0] =	sst s23  }
0x48: {  	s25 =	simm.s32 $0x2500;
	[smem:$0x6E1] =	sst s24  }
0x49: {  	s26 =	simm.s32 $0x2580;
	[smem:$0x6E2] =	sst s25  }
0x4a: {  	s7 =	simm.s32 $0x2700;
	[smem:$0x6E3] =	sst s26  }
0x4b: {  	s8 =	simm.s32 $0x2780;
	[smem:$0x6E6] =	sst s7  }
0x4c: {  	s9 =	simm.s32 $0x2800;
	[smem:$0x6E7] =	sst s8  }
0x4d: {  	s10 =	simm.s32 $0x2880;
	[smem:$0x6E8] =	sst s9  }
0x4e: {  	s11 =	simm.s32 $0x2900;
	[smem:$0x6E9] =	sst s10  }
0x4f: {  	s12 =	simm.s32 $0x2980;
	[smem:$0x6EA] =	sst s11  }
0x50: {  	s13 =	simm.s32 $0x2A00;
	[smem:$0x6EB] =	sst s12  }
0x51: {  	s14 =	simm.s32 $0x2A80;
	[smem:$0x6EC] =	sst s13  }
0x52: {  	s15 =	simm.s32 $0x2B00;
	[smem:$0x6ED] =	sst s14  }
0x53: {  	s16 =	simm.s32 $0x2B80;
	[smem:$0x6EE] =	sst s15  }
0x54: {  	s17 =	simm.s32 $0x2C00;
	[smem:$0x6EF] =	sst s16  }
0x55: {  	s18 =	simm.s32 $0x2C80;
	[smem:$0x6F0] =	sst s17  }
0x56: {  	s19 =	simm.s32 $0x2D00;
	[smem:$0x6F1] =	sst s18  }
0x57: {  	s5 =	simm.s32 $0x1080;
	[smem:$0x6F2] =	sst s19  }
0x58: {  	s4 =	simm.s32 $0x1B00;
	[smem:$0x6B9] =	sst s5  }
0x59: {  	s20 =	simm.s32 $0x2D80;
	[smem:$0x6CE] =	sst s4  }
0x5a: {  	s21 =	simm.s32 $0x2E00;
	[smem:$0x6F3] =	sst s20  }
0x5b: {  	s22 =	simm.s32 $0x2E80;
	[smem:$0x6F4] =	sst s21  }
0x5c: {  	s23 =	simm.s32 $0x2F00;
	[smem:$0x6F5] =	sst s22  }
0x5d: {  	s24 =	simm.s32 $0x2F80;
	[smem:$0x6F6] =	sst s23  }
0x5e: {  	s25 =	simm.s32 $0x3000;
	[smem:$0x6F7] =	sst s24  }
0x5f: {  	s26 =	simm.s32 $0x3080;
	[smem:$0x6F8] =	sst s25  }
0x60: {  	s7 =	simm.s32 $0x3200;
	[smem:$0x6F9] =	sst s26  }
0x61: {  	s8 =	simm.s32 $0x3280;
	[smem:$0x6FC] =	sst s7  }
0x62: {  	s9 =	simm.s32 $0x3300;
	[smem:$0x6FD] =	sst s8  }
0x63: {  	s10 =	simm.s32 $0x3380;
	[smem:$0x6FE] =	sst s9  }
0x64: {  	s11 =	simm.s32 $0x3400;
	[smem:$0x6FF] =	sst s10  }
0x65: {  	s12 =	simm.s32 $0x3480;
	[smem:$0x700] =	sst s11  }
0x66: {  	s13 =	simm.s32 $0x3500;
	[smem:$0x701] =	sst s12  }
0x67: {  	s14 =	simm.s32 $0x3580;
	[smem:$0x702] =	sst s13  }
0x68: {  	s15 =	simm.s32 $0x3600;
	[smem:$0x703] =	sst s14  }
0x69: {  	s16 =	simm.s32 $0x3680;
	[smem:$0x704] =	sst s15  }
0x6a: {  	s17 =	simm.s32 $0x3700;
	[smem:$0x705] =	sst s16  }
0x6b: {  	s18 =	simm.s32 $0x3780;
	[smem:$0x706] =	sst s17  }
0x6c: {  	s19 =	simm.s32 $0x3800;
	[smem:$0x707] =	sst s18  }
0x6d: {  	s5 =	simm.s32 $0x1B80;
	[smem:$0x708] =	sst s19  }
0x6e: {  	s4 =	simm.s32 $0x2600;
	[smem:$0x6CF] =	sst s5  }
0x6f: {  	s20 =	simm.s32 $0x3880;
	[smem:$0x6E4] =	sst s4  }
0x70: {  	s21 =	simm.s32 $0x3900;
	[smem:$0x709] =	sst s20  }
0x71: {  	s22 =	simm.s32 $0x3980;
	[smem:$0x70A] =	sst s21  }
0x72: {  	s23 =	simm.s32 $0x3A00;
	[smem:$0x70B] =	sst s22  }
0x73: {  	s24 =	simm.s32 $0x3A80;
	[smem:$0x70C] =	sst s23  }
0x74: {  	s25 =	simm.s32 $0x3B00;
	[smem:$0x70D] =	sst s24  }
0x75: {  	s26 =	simm.s32 $0x3B80;
	[smem:$0x70E] =	sst s25  }
0x76: {  	s7 =	simm.s32 $0x3D00;
	[smem:$0x70F] =	sst s26  }
0x77: {  	s8 =	simm.s32 $0x3D80;
	[smem:$0x712] =	sst s7  }
0x78: {  	s9 =	simm.s32 $0x3E00;
	[smem:$0x713] =	sst s8  }
0x79: {  	s10 =	simm.s32 $0x3E80;
	[smem:$0x714] =	sst s9  }
0x7a: {  	s11 =	simm.s32 $0x3F00;
	[smem:$0x715] =	sst s10  }
0x7b: {  	s12 =	simm.s32 $0x3F80;
	[smem:$0x716] =	sst s11  }
0x7c: {  	s13 =	simm.s32 $0x4000;
	[smem:$0x717] =	sst s12  }
0x7d: {  	s14 =	simm.s32 $0x4080;
	[smem:$0x718] =	sst s13  }
0x7e: {  	s15 =	simm.s32 $0x4100;
	[smem:$0x719] =	sst s14  }
0x7f: {  	s16 =	simm.s32 $0x4180;
	[smem:$0x71A] =	sst s15  }
0x80: {  	s17 =	simm.s32 $0x4200;
	[smem:$0x71B] =	sst s16  }
0x81: {  	s18 =	simm.s32 $0x4280;
	[smem:$0x71C] =	sst s17  }
0x82: {  	s19 =	simm.s32 $0x4300;
	[smem:$0x71D] =	sst s18  }
0x83: {  	s5 =	simm.s32 $0x2680;
	[smem:$0x71E] =	sst s19  }
0x84: {  	s4 =	simm.s32 $0x3100;
	[smem:$0x6E5] =	sst s5  }
0x85: {  	s20 =	simm.s32 $0x4380;
	[smem:$0x6FA] =	sst s4  }
0x86: {  	s21 =	simm.s32 $0x4400;
	[smem:$0x71F] =	sst s20  }
0x87: {  	s22 =	simm.s32 $0x4480;
	[smem:$0x720] =	sst s21  }
0x88: {  	s23 =	simm.s32 $0x4500;
	[smem:$0x721] =	sst s22  }
0x89: {  	s24 =	simm.s32 $0x4580;
	[smem:$0x722] =	sst s23  }
0x8a: {  	s25 =	simm.s32 $0x4600;
	[smem:$0x723] =	sst s24  }
0x8b: {  	s26 =	simm.s32 $0x4680;
	[smem:$0x724] =	sst s25  }
0x8c: {  	s7 =	simm.s32 $0x4800;
	[smem:$0x725] =	sst s26  }
0x8d: {  	s8 =	simm.s32 $0x4880;
	[smem:$0x728] =	sst s7  }
0x8e: {  	s9 =	simm.s32 $0x4900;
	[smem:$0x729] =	sst s8  }
0x8f: {  	s10 =	simm.s32 $0x4980;
	[smem:$0x72A] =	sst s9  }
0x90: {  	s11 =	simm.s32 $0x4A00;
	[smem:$0x72B] =	sst s10  }
0x91: {  	s12 =	simm.s32 $0x4A80;
	[smem:$0x72C] =	sst s11  }
0x92: {  	s13 =	simm.s32 $0x4B00;
	[smem:$0x72D] =	sst s12  }
0x93: {  	s14 =	simm.s32 $0x4B80;
	[smem:$0x72E] =	sst s13  }
0x94: {  	s15 =	simm.s32 $0x4C00;
	[smem:$0x72F] =	sst s14  }
0x95: {  	s16 =	simm.s32 $0x4C80;
	[smem:$0x730] =	sst s15  }
0x96: {  	s17 =	simm.s32 $0x4D00;
	[smem:$0x731] =	sst s16  }
0x97: {  	s18 =	simm.s32 $0x4D80;
	[smem:$0x732] =	sst s17  }
0x98: {  	s19 =	simm.s32 $0x4E00;
	[smem:$0x733] =	sst s18  }
0x99: {  	s5 =	simm.s32 $0x3180;
	[smem:$0x734] =	sst s19  }
0x9a: {  	s4 =	simm.s32 $0x3C00;
	[smem:$0x6FB] =	sst s5  }
0x9b: {  	s20 =	simm.s32 $0x4E80;
	[smem:$0x710] =	sst s4  }
0x9c: {  	s21 =	simm.s32 $0x4F00;
	[smem:$0x735] =	sst s20  }
0x9d: {  	s22 =	simm.s32 $0x4F80;
	[smem:$0x736] =	sst s21  }
0x9e: {  	s23 =	simm.s32 $0x5000;
	[smem:$0x737] =	sst s22  }
0x9f: {  	s24 =	simm.s32 $0x5080;
	[smem:$0x738] =	sst s23  }
0xa0: {  	s25 =	simm.s32 $0x5100;
	[smem:$0x739] =	sst s24  }
0xa1: {  	s26 =	simm.s32 $0x5180;
	[smem:$0x73A] =	sst s25  }
0xa2: {  	s7 =	simm.s32 $0x5300;
	[smem:$0x73B] =	sst s26  }
0xa3: {  	s8 =	simm.s32 $0x5380;
	[smem:$0x73E] =	sst s7  }
0xa4: {  	s9 =	simm.s32 $0x5400;
	[smem:$0x73F] =	sst s8  }
0xa5: {  	s10 =	simm.s32 $0x5480;
	[smem:$0x740] =	sst s9  }
0xa6: {  	s11 =	simm.s32 $0x5500;
	[smem:$0x741] =	sst s10  }
0xa7: {  	s12 =	simm.s32 $0x5580;
	[smem:$0x742] =	sst s11  }
0xa8: {  	s13 =	simm.s32 $0x5600;
	[smem:$0x743] =	sst s12  }
0xa9: {  	s14 =	simm.s32 $0x5680;
	[smem:$0x744] =	sst s13  }
0xaa: {  	s15 =	simm.s32 $0x5700;
	[smem:$0x745] =	sst s14  }
0xab: {  	s16 =	simm.s32 $0x5780;
	[smem:$0x746] =	sst s15  }
0xac: {  	s17 =	simm.s32 $0x5800;
	[smem:$0x747] =	sst s16  }
0xad: {  	s18 =	simm.s32 $0x5880;
	[smem:$0x748] =	sst s17  }
0xae: {  	s19 =	simm.s32 $0x5900;
	[smem:$0x749] =	sst s18  }
0xaf: {  	s5 =	simm.s32 $0x3C80;
	[smem:$0x74A] =	sst s19  }
0xb0: {  	s4 =	simm.s32 $0x4700;
	[smem:$0x711] =	sst s5  }
0xb1: {  	s20 =	simm.s32 $0x5980;
	[smem:$0x726] =	sst s4  }
0xb2: {  	s21 =	simm.s32 $0x5A00;
	[smem:$0x74B] =	sst s20  }
0xb3: {  	s22 =	simm.s32 $0x5A80;
	[smem:$0x74C] =	sst s21  }
0xb4: {  	s23 =	simm.s32 $0x5B00;
	[smem:$0x74D] =	sst s22  }
0xb5: {  	s24 =	simm.s32 $0x5B80;
	[smem:$0x74E] =	sst s23  }
0xb6: {  	s25 =	simm.s32 $0x5C00;
	[smem:$0x74F] =	sst s24  }
0xb7: {  	s26 =	simm.s32 $0x5C80;
	[smem:$0x750] =	sst s25  }
0xb8: {  	s7 =	simm.s32 $0x5E00;
	[smem:$0x751] =	sst s26  }
0xb9: {  	s8 =	simm.s32 $0x5E80;
	[smem:$0x754] =	sst s7  }
0xba: {  	s9 =	simm.s32 $0x5F00;
	[smem:$0x755] =	sst s8  }
0xbb: {  	s10 =	simm.s32 $0x5F80;
	[smem:$0x756] =	sst s9  }
0xbc: {  	s11 =	simm.s32 $0x6000;
	[smem:$0x757] =	sst s10  }
0xbd: {  	s12 =	simm.s32 $0x6080;
	[smem:$0x758] =	sst s11  }
0xbe: {  	s13 =	simm.s32 $0x6100;
	[smem:$0x759] =	sst s12  }
0xbf: {  	s14 =	simm.s32 $0x6180;
	[smem:$0x75A] =	sst s13  }
0xc0: {  	s15 =	simm.s32 $0x6200;
	[smem:$0x75B] =	sst s14  }
0xc1: {  	s16 =	simm.s32 $0x6280;
	[smem:$0x75C] =	sst s15  }
0xc2: {  	s17 =	simm.s32 $0x6300;
	[smem:$0x75D] =	sst s16  }
0xc3: {  	s18 =	simm.s32 $0x6380;
	[smem:$0x75E] =	sst s17  }
0xc4: {  	s19 =	simm.s32 $0x6400;
	[smem:$0x75F] =	sst s18  }
0xc5: {  	s5 =	simm.s32 $0x4780;
	[smem:$0x760] =	sst s19  }
0xc6: {  	s4 =	simm.s32 $0x5200;
	[smem:$0x727] =	sst s5  }
0xc7: {  	s20 =	simm.s32 $0x6480;
	[smem:$0x73C] =	sst s4  }
0xc8: {  	s21 =	simm.s32 $0x6500;
	[smem:$0x761] =	sst s20  }
0xc9: {  	s22 =	simm.s32 $0x6580;
	[smem:$0x762] =	sst s21  }
0xca: {  	s23 =	simm.s32 $0x6600;
	[smem:$0x763] =	sst s22  }
0xcb: {  	s24 =	simm.s32 $0x6680;
	[smem:$0x764] =	sst s23  }
0xcc: {  	s25 =	simm.s32 $0x6700;
	[smem:$0x765] =	sst s24  }
0xcd: {  	s26 =	simm.s32 $0x6780;
	[smem:$0x766] =	sst s25  }
0xce: {  	s7 =	simm.s32 $0x6900;
	[smem:$0x767] =	sst s26  }
0xcf: {  	s8 =	simm.s32 $0x6980;
	[smem:$0x76A] =	sst s7  }
0xd0: {  	s9 =	simm.s32 $0x6A00;
	[smem:$0x76B] =	sst s8  }
0xd1: {  	s10 =	simm.s32 $0x6A80;
	[smem:$0x76C] =	sst s9  }
0xd2: {  	s11 =	simm.s32 $0x6B00;
	[smem:$0x76D] =	sst s10  }
0xd3: {  	s12 =	simm.s32 $0x6B80;
	[smem:$0x76E] =	sst s11  }
0xd4: {  	s13 =	simm.s32 $0x6C00;
	[smem:$0x76F] =	sst s12  }
0xd5: {  	s14 =	simm.s32 $0x6C80;
	[smem:$0x770] =	sst s13  }
0xd6: {  	s15 =	simm.s32 $0x6D00;
	[smem:$0x771] =	sst s14  }
0xd7: {  	s16 =	simm.s32 $0x6D80;
	[smem:$0x772] =	sst s15  }
0xd8: {  	s17 =	simm.s32 $0x6E00;
	[smem:$0x773] =	sst s16  }
0xd9: {  	s18 =	simm.s32 $0x6E80;
	[smem:$0x774] =	sst s17  }
0xda: {  	s19 =	simm.s32 $0x6F00;
	[smem:$0x775] =	sst s18  }
0xdb: {  	s5 =	simm.s32 $0x5280;
	[smem:$0x776] =	sst s19  }
0xdc: {  	s4 =	simm.s32 $0x5D00;
	[smem:$0x73D] =	sst s5  }
0xdd: {  	s20 =	simm.s32 $0x6F80;
	[smem:$0x752] =	sst s4  }
0xde: {  	s21 =	simm.s32 $0x7000;
	[smem:$0x777] =	sst s20  }
0xdf: {  	s22 =	simm.s32 $0x7080;
	[smem:$0x778] =	sst s21  }
0xe0: {  	s23 =	simm.s32 $0x7100;
	[smem:$0x779] =	sst s22  }
0xe1: {  	s24 =	simm.s32 $0x7180;
	[smem:$0x77A] =	sst s23  }
0xe2: {  	s25 =	simm.s32 $0x7200;
	[smem:$0x77B] =	sst s24  }
0xe3: {  	s26 =	simm.s32 $0x7280;
	[smem:$0x77C] =	sst s25  }
0xe4: {  	s7 =	simm.s32 $0x7400;
	[smem:$0x77D] =	sst s26  }
0xe5: {  	s8 =	simm.s32 $0x7480;
	[smem:$0x780] =	sst s7  }
0xe6: {  	s9 =	simm.s32 $0x7500;
	[smem:$0x781] =	sst s8  }
0xe7: {  	s10 =	simm.s32 $0x7580;
	[smem:$0x782] =	sst s9  }
0xe8: {  	s11 =	simm.s32 $0x7600;
	[smem:$0x783] =	sst s10  }
0xe9: {  	s12 =	simm.s32 $0x7680;
	[smem:$0x784] =	sst s11  }
0xea: {  	s13 =	simm.s32 $0x7700;
	[smem:$0x785] =	sst s12  }
0xeb: {  	s14 =	simm.s32 $0x7780;
	[smem:$0x786] =	sst s13  }
0xec: {  	s15 =	simm.s32 $0x7800;
	[smem:$0x787] =	sst s14  }
0xed: {  	s16 =	simm.s32 $0x7880;
	[smem:$0x788] =	sst s15  }
0xee: {  	s17 =	simm.s32 $0x7900;
	[smem:$0x789] =	sst s16  }
0xef: {  	s18 =	simm.s32 $0x7980;
	[smem:$0x78A] =	sst s17  }
0xf0: {  	s19 =	simm.s32 $0x7A00;
	[smem:$0x78B] =	sst s18  }
0xf1: {  	s5 =	simm.s32 $0x5D80;
	[smem:$0x78C] =	sst s19  }
0xf2: {  	s4 =	simm.s32 $0x6800;
	[smem:$0x753] =	sst s5  }
0xf3: {  	s20 =	simm.s32 $0x7A80;
	[smem:$0x768] =	sst s4  }
0xf4: {  	s21 =	simm.s32 $0x7B00;
	[smem:$0x78D] =	sst s20  }
0xf5: {  	s22 =	simm.s32 $0x7B80;
	[smem:$0x78E] =	sst s21  }
0xf6: {  	s23 =	simm.s32 $0x7C00;
	[smem:$0x78F] =	sst s22  }
0xf7: {  	s24 =	simm.s32 $0x7C80;
	[smem:$0x790] =	sst s23  }
0xf8: {  	s25 =	simm.s32 $0x7D00;
	[smem:$0x791] =	sst s24  }
0xf9: {  	s26 =	simm.s32 $0x7D80;
	[smem:$0x792] =	sst s25  }
0xfa: {  	s7 =	simm.s32 $0x7F00;
	[smem:$0x793] =	sst s26  }
0xfb: {  	s8 =	simm.s32 $0x7F80;
	[smem:$0x796] =	sst s7  }
0xfc: {  	s9 =	simm.s32 $0x8000;
	[smem:$0x797] =	sst s8  }
0xfd: {  	s10 =	simm.s32 $0x8080;
	[smem:$0x798] =	sst s9  }
0xfe: {  	s11 =	simm.s32 $0x8100;
	[smem:$0x799] =	sst s10  }
0xff: {  	s12 =	simm.s32 $0x8180;
	[smem:$0x79A] =	sst s11  }
0x100: {  	s13 =	simm.s32 $0x8200;
	[smem:$0x79B] =	sst s12  }
0x101: {  	s14 =	simm.s32 $0x8280;
	[smem:$0x79C] =	sst s13  }
0x102: {  	s15 =	simm.s32 $0x8300;
	[smem:$0x79D] =	sst s14  }
0x103: {  	s16 =	simm.s32 $0x8380;
	[smem:$0x79E] =	sst s15  }
0x104: {  	s17 =	simm.s32 $0x8400;
	[smem:$0x79F] =	sst s16  }
0x105: {  	s18 =	simm.s32 $0x8480;
	[smem:$0x7A0] =	sst s17  }
0x106: {  	s19 =	simm.s32 $0x8500;
	[smem:$0x7A1] =	sst s18  }
0x107: {  	s5 =	simm.s32 $0x6880;
	[smem:$0x7A2] =	sst s19  }
0x108: {  	s4 =	simm.s32 $0x7300;
	[smem:$0x769] =	sst s5  }
0x109: {  	s20 =	simm.s32 $0x8580;
	[smem:$0x77E] =	sst s4  }
0x10a: {  	s21 =	simm.s32 $0x8600;
	[smem:$0x7A3] =	sst s20  }
0x10b: {  	s22 =	simm.s32 $0x8680;
	[smem:$0x7A4] =	sst s21  }
0x10c: {  	s23 =	simm.s32 $0x8700;
	[smem:$0x7A5] =	sst s22  }
0x10d: {  	s24 =	simm.s32 $0x8780;
	[smem:$0x7A6] =	sst s23  }
0x10e: {  	s25 =	simm.s32 $0x8800;
	[smem:$0x7A7] =	sst s24  }
0x10f: {  	s26 =	simm.s32 $0x8880;
	[smem:$0x7A8] =	sst s25  }
0x110: {  	s7 =	simm.s32 $0x8980;
	[smem:$0x7A9] =	sst s26  }
0x111: {  	s8 =	simm.s32 $0x8A00;
	[smem:$0x7AB] =	sst s7  }
0x112: {  	s9 =	simm.s32 $0x8A80;
	[smem:$0x7AC] =	sst s8  }
0x113: {  	s10 =	simm.s32 $0x8B00;
	[smem:$0x7AD] =	sst s9  }
0x114: {  	s11 =	simm.s32 $0x8B80;
	[smem:$0x7AE] =	sst s10  }
0x115: {  	s12 =	simm.s32 $0x8C00;
	[smem:$0x7AF] =	sst s11  }
0x116: {  	s13 =	simm.s32 $0x8C80;
	[smem:$0x7B0] =	sst s12  }
0x117: {  	s14 =	simm.s32 $0x8D00;
	[smem:$0x7B1] =	sst s13  }
0x118: {  	s15 =	simm.s32 $0x8D80;
	[smem:$0x7B2] =	sst s14  }
0x119: {  	s16 =	simm.s32 $0x8E00;
	[smem:$0x7B3] =	sst s15  }
0x11a: {  	s17 =	simm.s32 $0x8E80;
	[smem:$0x7B4] =	sst s16  }
0x11b: {  	s18 =	simm.s32 $0x8F00;
	[smem:$0x7B5] =	sst s17  }
0x11c: {  	s19 =	simm.s32 $0x8F80;
	[smem:$0x7B6] =	sst s18  }
0x11d: {  	s5 =	simm.s32 $0x7380;
	[smem:$0x7B7] =	sst s19  }
0x11e: {  	s4 =	simm.s32 $0x7E00;
	[smem:$0x77F] =	sst s5  }
0x11f: {  	s20 =	simm.s32 $0x9000;
	[smem:$0x794] =	sst s4  }
0x120: {  	s21 =	simm.s32 $0x9080;
	[smem:$0x7B8] =	sst s20  }
0x121: {  	s22 =	simm.s32 $0x9100;
	[smem:$0x7B9] =	sst s21  }
0x122: {  	s23 =	simm.s32 $0x9180;
	[smem:$0x7BA] =	sst s22  }
0x123: {  	s24 =	simm.s32 $0x9200;
	[smem:$0x7BB] =	sst s23  }
0x124: {  	s25 =	simm.s32 $0x9280;
	[smem:$0x7BC] =	sst s24  }
0x125: {  	s26 =	simm.s32 $0x9300;
	[smem:$0x7BD] =	sst s25  }
0x126: {  	s7 =	simm.s32 $0x9400;
	[smem:$0x7BE] =	sst s26  }
0x127: {  	s8 =	simm.s32 $0x9480;
	[smem:$0x7C0] =	sst s7  }
0x128: {  	s9 =	simm.s32 $0x9500;
	[smem:$0x7C1] =	sst s8  }
0x129: {  	s10 =	simm.s32 $0x9580;
	[smem:$0x7C2] =	sst s9  }
0x12a: {  	s11 =	simm.s32 $0x9600;
	[smem:$0x7C3] =	sst s10  }
0x12b: {  	s12 =	simm.s32 $0x9680;
	[smem:$0x7C4] =	sst s11  }
0x12c: {  	s13 =	simm.s32 $0x9700;
	[smem:$0x7C5] =	sst s12  }
0x12d: {  	s14 =	simm.s32 $0x9780;
	[smem:$0x7C6] =	sst s13  }
0x12e: {  	s15 =	simm.s32 $0x9800;
	[smem:$0x7C7] =	sst s14  }
0x12f: {  	s16 =	simm.s32 $0x9880;
	[smem:$0x7C8] =	sst s15  }
0x130: {  	s17 =	simm.s32 $0x9900;
	[smem:$0x7C9] =	sst s16  }
0x131: {  	s18 =	simm.s32 $0x9980;
	[smem:$0x7CA] =	sst s17  }
0x132: {  	s19 =	simm.s32 $0x9A00;
	[smem:$0x7CB] =	sst s18  }
0x133: {  	s5 =	simm.s32 $0x7E80;
	[smem:$0x7CC] =	sst s19  }
0x134: {  	s20 =	simm.s32 $0x9A80;
	[smem:$0x795] =	sst s5  }
0x135: {  	s21 =	simm.s32 $0x9B00;
	[smem:$0x7CD] =	sst s20  }
0x136: {  	s22 =	simm.s32 $0x9B80;
	[smem:$0x7CE] =	sst s21  }
0x137: {  	s23 =	simm.s32 $0x9C00;
	[smem:$0x7CF] =	sst s22  }
0x138: {  	s24 =	simm.s32 $0x9C80;
	[smem:$0x7D0] =	sst s23  }
0x139: {  	s25 =	simm.s32 $0x9D00;
	[smem:$0x7D1] =	sst s24  }
0x13a: {  	s26 =	simm.s32 $0x9D80;
	[smem:$0x7D2] =	sst s25  }
0x13b: {  	s7 =	simm.s32 $0x9E80;
	[smem:$0x7D3] =	sst s26  }
0x13c: {  	s8 =	simm.s32 $0x9F00;
	[smem:$0x7D5] =	sst s7  }
0x13d: {  	s9 =	simm.s32 $0x9F80;
	[smem:$0x7D6] =	sst s8  }
0x13e: {  	s10 =	simm.s32 $0xA000;
	[smem:$0x7D7] =	sst s9  }
0x13f: {  	s11 =	simm.s32 $0xA080;
	[smem:$0x7D8] =	sst s10  }
0x140: {  	s12 =	simm.s32 $0xA100;
	[smem:$0x7D9] =	sst s11  }
0x141: {  	s13 =	simm.s32 $0xA180;
	[smem:$0x7DA] =	sst s12  }
0x142: {  	s14 =	simm.s32 $0xA200;
	[smem:$0x7DB] =	sst s13  }
0x143: {  	s15 =	simm.s32 $0xA280;
	[smem:$0x7DC] =	sst s14  }
0x144: {  	s16 =	simm.s32 $0xA300;
	[smem:$0x7DD] =	sst s15  }
0x145: {  	s17 =	simm.s32 $0xA380;
	[smem:$0x7DE] =	sst s16  }
0x146: {  	s18 =	simm.s32 $0xA400;
	[smem:$0x7DF] =	sst s17  }
0x147: {  	s19 =	simm.s32 $0xA480;
	[smem:$0x7E0] =	sst s18  }
0x148: {  	s5 =	simm.s32 $0x8900;
	[smem:$0x7E1] =	sst s19  }
0x149: {  	s20 =	simm.s32 $0xA500;
	[smem:$0x7AA] =	sst s5  }
0x14a: {  	s21 =	simm.s32 $0xA580;
	[smem:$0x7E2] =	sst s20  }
0x14b: {  	s22 =	simm.s32 $0xA600;
	[smem:$0x7E3] =	sst s21  }
0x14c: {  	s23 =	simm.s32 $0xA680;
	[smem:$0x7E4] =	sst s22  }
0x14d: {  	s24 =	simm.s32 $0xA700;
	[smem:$0x7E5] =	sst s23  }
0x14e: {  	s28 =	simm.s32 $0xB280;
	s25 =	simm.s32 $0xA780;
	[smem:$0x7E6] =	sst s24  }
0x14f: {  	s29 =	simm.s32 $0x1;
	s26 =	simm.s32 $0xA800;
	[smem:$0x7E7] =	sst s25  }
0x150: {  	s30 =	simm.s32 $0x2;
	s7 =	simm.s32 $0xA900;
	[smem:$0x7E8] =	sst s26  }
0x151: {  	s31 =	simm.s32 $0x0;
	s8 =	simm.s32 $0xA980;
	[smem:$0x7EA] =	sst s7  }
0x152: {  	s3 =	sadd.s32 $0x600, s1;
	s9 =	simm.s32 $0xAA00;
	[smem:$0x7EB] =	sst s8  }
0x153: {  	s4 =	sadd.s32 $0x2DC7200, s1;
	s10 =	simm.s32 $0xAA80;
	[smem:$0x7EC] =	sst s9  }
0x154: {  	s11 =	simm.s32 $0xAB00;
	s12 =	simm.s32 $0xAB80;
	[smem:$0x7ED] =	sst s10  }
0x155: {  	s13 =	simm.s32 $0xAC00;
	s14 =	smul.u32 $0x8A000, s6;
	[smem:$0x7EE] =	sst s11  }
0x156: {  	s15 =	simm.s32 $0xAC80;
	s16 =	simm.s32 $0xAD80;
	[smem:$0x7EF] =	sst s12  }
0x157: {  	s17 =	ssub.s32 $0x2, s0;
	s18 =	simm.s32 $0xAE00;
	[smem:$0x7F0] =	sst s13  }
0x158: {  	s0 =	smul.u32 $0x45000, s0;
	s5 =	simm.s32 $0x9380;
	[smem:$0x7F1] =	sst s15  }
0x159: {  	s7 =	simm.s32 $0xAD00;
	[smem:$0x7F3] =	sst s16;
	s19 =	sshrl.u32 s17, $0x1  }
0x15a: {  	s9 =	simm.s32 $0xAE80;
	[smem:$0x7F4] =	sst s18;
	s20 =	simm.s32 $0xAF00  }
0x15b: {  	s21 =	simm.s32 $0xAF80;
	s22 =	simm.s32 $0xB000;
	[smem:$0x7BF] =	sst s5  }
0x15c: {  	s24 =	simm.s32 $0xB080;
	s25 =	simm.s32 $0xB100;
	[smem:$0x7F2] =	sst s7  }
0x15d: {  	s26 =	simm.s32 $0xB180;
	s10 =	simm.s32 $0xE900;
	[smem:$0x7F5] =	sst s9  }
0x15e: {  	s11 =	simm.s32 $0xB900;
	s12 =	simm.s32 $0x58;
	[smem:$0x7F6] =	sst s20  }
0x15f: {  	s13 =	simm.s32 $0x60;
	s15 =	simm.s32 $0xB880;
	[smem:$0x7F7] =	sst s21  }
0x160: {  	s16 =	simm.s32 $0xB380;
	s18 =	simm.s32 $0xB780;
	[smem:$0x7F9] =	sst s22  }
0x161: {  	s5 =	simm.s32 $0x9E00;
	s8 =	sadd.s32 s14, s1;
	[smem:$0x7FA] =	sst s24  }
0x162: {  	s6 =	ssub.s32 s17, s19;
	[smem:$0x7FC] =	sst s25;
	s9 =	simm.s32 $0x100  }
0x163: {  	v0 =	vimm.s32 $0x3;
	[smem:$0x7FD] =	sst s26;
	s14 =	simm.s32 $0xB800;
	s17 =	simm.s32 $0xB700  }
0x164: {  	v1 =	vimm.s32 $0x7;
	v2 =	vimm.s32 $0x0;
	v3 =	vlaneseq.u32;
	s19 =	simm.s32 $0xB680;
	s20 =	simm.s32 $0xB580;
	s21 =	simm.s32 $0xB600  }
0x165: {  	vm0 =	vmmov $0x1;
	v4 =	vimm.s32 $0x1;
	v5 =	vimm.s32 $0x2;
	s22 =	simm.s32 $0xB400;
	s24 =	simm.s32 $0xB480;
	s25 =	simm.s32 $0xB300  }
0x166: {  	v6 =	vimm.s32 $0x4;
	v7 =	vimm.s32 $0x5;
	v8 =	vimm.s32 $0x6;
	s26 =	simm.s32 $0xB200;
	[smem:$0x7D4] =	sst s5;
	s5 =	simm.s32 $0xA880  }
0x167: {  	v9 =	vimm.s32 $0x8;
	v10 =	vimm.s32 $0x9;
	v11 =	vimm.s32 $0xA;
	s23 =	smax.u32 s6, $0x1;
	s0 =	sadd.s32 s0, s8;
	[smem:$0x7E9] =	sst s5  }
0x168: {  	v12 =	vimm.s32 $0xB;
	v13 =	vimm.s32 $0xC;
	v14 =	vimm.s32 $0xD;
	s8 =	simm.s32 $0x3;
	[smem:$0x7F8] =	sst s23;
	s0 =	sadd.s32 $0x3D09600, s0  }
0x169: {  	v15 =	vimm.s32 $0xE;
	v16 =	vimm.s32 $0xF;
	v3 =	vmul.u32 $0x8, v3;
	s5 =	sadd.s32 $0x680, s1;
	s23 =	simm.s32 $0xB500;
	[smem:$0x7FB] =	sst s0  }
.LBB2_1:
0x16a: {  	s7 =	sld [smem:$0x7FB];
	s0 =	simm.s32 $0x0  }
.LBB2_2:
0x16b: {  	s6 =	rddreg [dreg:$0x3]  }
0x16c: {  	s6 =	sadd.s32 s0, s6  }
0x16d: {  	[tilespmem:s2], [sflag:$0x3] =	stream.linear.gather [hbm4b:s6+s2], $0xC0, $0x38;
	[tilespmem:$0x11500] =	vst v63  }
0x16e: {  	_ =	swait.ge [sflag:s8], $0xC0  }
0x16f: {  	p0 =	seq.s32 s0, $0x0;
	[sflag:s8] =	ssyncset.done $0x0  }
0x170: {  	s6 =	simm.s32 @!p0 $0x2;
	[sflag:s8] =	ssyncadd.s32 $0xFFFFFF40  }
0x171: {  	_ =	swait.ge @!p0 [sflag:s6], $0x11400  }
0x172: {  	[sflag:s6] =	ssyncset.done @!p0 $0x0  }
0x173: {  	[sflag:s6] =	ssyncadd.s32 @!p0 $0xFFFEEC00  }
0x174: {  	v17 =	vld [tilespmem:$0x0];
	_ =	sdelay $0x4  }
0x175: {  	v18 =	vshrl.u32 v17, $0x3  }
0x176: {  	v18 =	vmul.u32 $0x18, v18  }
0x177: {  	v17 =	vand.u32 $0x7, v17  }
0x178: {  	v17 =	vor.u32 v17, v18  }
0x179: {  	v18 =	vperm.xlane v17, v2;
	_ =	sdelay $0x1  }
0x17a: {  	v19 =	vperm.xlane v17, v4;
	v18 =	vadd.s32 v3, v18;
	_ =	sdelay $0x1  }
0x17b: {  	v20 =	vperm.xlane v17, v5;
	v19 =	vadd.s32 v3, v19;
	_ =	sdelay $0x1  }
0x17c: {  	v21 =	vperm.xlane v17, v0;
	v20 =	vadd.s32 v3, v20  }
0x17d: {  	[tilespmem:s9], [sflag:$0x1] =	stream.indirect_vreg.gather [hbm4b:s3+s2], $0x80, v18, vm0, $0xb8;
	[tilespmem:$0x11500] =	vst v63  }
0x17e: {  	s6 =	rddreg [dreg:$0x4];
	v40 =	vperm.xlane v17, v6;
	v18 =	vadd.s32 v3, v21  }
0x17f: {  	[tilespmem:s6], [sflag:$0x1] =	stream.indirect_vreg.gather [hbm4b:s3+s2], $0x80, v19, vm0, $0xb8;
	[tilespmem:$0x11500] =	vst v63  }
0x180: {  	s1 =	rddreg [dreg:$0x5];
	v41 =	vperm.xlane v17, v7;
	v19 =	vadd.s32 v3, v40  }
0x181: {  	[tilespmem:s1], [sflag:$0x1] =	stream.indirect_vreg.gather [hbm4b:s3+s2], $0x80, v20, vm0, $0xb8;
	[tilespmem:$0x11500] =	vst v63  }
0x182: {  	v43 =	vperm.xlane v17, v8;
	v42 =	vadd.s32 v3, v41;
	s6 =	rddreg [dreg:$0x6]  }
0x183: {  	[tilespmem:s6], [sflag:$0x1] =	stream.indirect_vreg.gather [hbm4b:s3+s2], $0x80, v18, vm0, $0xb8;
	[tilespmem:$0x11500] =	vst v63  }
0x184: {  	v44 =	vperm.xlane v17, v1;
	s1 =	rddreg [dreg:$0x7];
	v18 =	vadd.s32 v3, v43  }
0x185: {  	[tilespmem:s1], [sflag:$0x1] =	stream.indirect_vreg.gather [hbm4b:s3+s2], $0x80, v19, vm0, $0xb8;
	[tilespmem:$0x11500] =	vst v63  }
0x186: {  	v45 =	vperm.xlane v17, v9;
	s6 =	rddreg [dreg:$0x8];
	v19 =	vadd.s32 v3, v44  }
0x187: {  	[tilespmem:s6], [sflag:$0x1] =	stream.indirect_vreg.gather [hbm4b:s3+s2], $0x80, v42, vm0, $0xb8;
	[tilespmem:$0x11500] =	vst v63  }
0x188: {  	v47 =	vperm.xlane v17, v10;
	v46 =	vadd.s32 v3, v45;
	s1 =	rddreg [dreg:$0x9]  }
0x189: {  	[tilespmem:s1], [sflag:$0x1] =	stream.indirect_vreg.gather [hbm4b:s3+s2], $0x80, v18, vm0, $0xb8;
	[tilespmem:$0x11500] =	vst v63  }
0x18a: {  	v48 =	vperm.xlane v17, v11;
	s6 =	rddreg [dreg:$0xa];
	v18 =	vadd.s32 v3, v47  }
0x18b: {  	[tilespmem:s6], [sflag:$0x1] =	stream.indirect_vreg.gather [hbm4b:s3+s2], $0x80, v19, vm0, $0xb8;
	[tilespmem:$0x11500] =	vst v63  }
0x18c: {  	v49 =	vperm.xlane v17, v12;
	s1 =	rddreg [dreg:$0xb];
	v19 =	vadd.s32 v3, v48  }
0x18d: {  	[tilespmem:s1], [sflag:$0x1] =	stream.indirect_vreg.gather [hbm4b:s3+s2], $0x80, v46, vm0, $0xb8;
	[tilespmem:$0x11500] =	vst v63  }
0x18e: {  	v51 =	vperm.xlane v17, v13;
	v50 =	vadd.s32 v3, v49;
	s6 =	rddreg [dreg:$0xc]  }
0x18f: {  	[tilespmem:s6], [sflag:$0x1] =	stream.indirect_vreg.gather [hbm4b:s3+s2], $0x80, v18, vm0, $0xb8;
	[tilespmem:$0x11500] =	vst v63  }
0x190: {  	v52 =	vperm.xlane v17, v14;
	s1 =	rddreg [dreg:$0xd];
	v18 =	vadd.s32 v3, v51  }
0x191: {  	[tilespmem:s1], [sflag:$0x1] =	stream.indirect_vreg.gather [hbm4b:s3+s2], $0x80, v19, vm0, $0xb8;
	[tilespmem:$0x11500] =	vst v63  }
0x192: {  	v53 =	vperm.xlane v17, v15;
	s6 =	rddreg [dreg:$0xe];
	v19 =	vadd.s32 v3, v52  }
0x193: {  	[tilespmem:s6], [sflag:$0x1] =	stream.indirect_vreg.gather [hbm4b:s3+s2], $0x80, v50, vm0, $0xb8;
	[tilespmem:$0x11500] =	vst v63  }
0x194: {  	v17 =	vperm.xlane v17, v16;
	v54 =	vadd.s32 v3, v53;
	s1 =	rddreg [dreg:$0xf]  }
0x195: {  	[tilespmem:s1], [sflag:$0x1] =	stream.indirect_vreg.gather [hbm4b:s3+s2], $0x80, v18, vm0, $0xb8;
	[tilespmem:$0x11500] =	vst v63  }
0x196: {  	v17 =	vadd.s32 v3, v17;
	s6 =	rddreg [dreg:$0x10]  }
0x197: {  	[tilespmem:s6], [sflag:$0x1] =	stream.indirect_vreg.gather [hbm4b:s3+s2], $0x80, v19, vm0, $0xb8;
	[tilespmem:$0x11500] =	vst v63  }
0x198: {  	s1 =	rddreg [dreg:$0x11]  }
0x199: {  	[tilespmem:s1], [sflag:$0x1] =	stream.indirect_vreg.gather [hbm4b:s3+s2], $0x80, v54, vm0, $0xb8;
	[tilespmem:$0x11500] =	vst v63  }
0x19a: {  	s6 =	rddreg [dreg:$0x12]  }
0x19b: {  	[tilespmem:s6], [sflag:$0x1] =	stream.indirect_vreg.gather [hbm4b:s3+s2], $0x80, v17, vm0, $0xb8;
	[tilespmem:$0x11500] =	vst v63  }
0x19c: {  	v17 =	vld [tilespmem:$0x10];
	_ =	sdelay $0x4  }
0x19d: {  	v18 =	vshrl.u32 v17, $0x3  }
0x19e: {  	v18 =	vmul.u32 $0x18, v18  }
0x19f: {  	v17 =	vand.u32 $0x7, v17  }
0x1a0: {  	v17 =	vor.u32 v17, v18  }
0x1a1: {  	v18 =	vperm.xlane v17, v2;
	_ =	sdelay $0x1  }
0x1a2: {  	v19 =	vperm.xlane v17, v4;
	v18 =	vadd.s32 v3, v18;
	_ =	sdelay $0x1  }
0x1a3: {  	v55 =	vperm.xlane v17, v5;
	v19 =	vadd.s32 v3, v19  }
0x1a4: {  	s1 =	rddreg [dreg:$0x13]  }
0x1a5: {  	s6 =	rddreg [dreg:$0x14];
	v56 =	vperm.xlane v17, v0;
	v20 =	vadd.s32 v3, v55  }
0x1a6: {  	[tilespmem:s1], [sflag:$0x1] =	stream.indirect_vreg.gather [hbm4b:s3+s2], $0x80, v18, vm0, $0xb8;
	[tilespmem:$0x11500] =	vst v63  }
0x1a7: {  	v57 =	vperm.xlane v17, v6;
	s1 =	rddreg [dreg:$0x15];
	v18 =	vadd.s32 v3, v56  }
0x1a8: {  	[tilespmem:s6], [sflag:$0x1] =	stream.indirect_vreg.gather [hbm4b:s3+s2], $0x80, v19, vm0, $0xb8;
	[tilespmem:$0x11500] =	vst v63  }
0x1a9: {  	v58 =	vperm.xlane v17, v7;
	s6 =	rddreg [dreg:$0x16];
	v19 =	vadd.s32 v3, v57  }
0x1aa: {  	[tilespmem:s1], [sflag:$0x1] =	stream.indirect_vreg.gather [hbm4b:s3+s2], $0x80, v20, vm0, $0xb8;
	[tilespmem:$0x11500] =	vst v63  }
0x1ab: {  	v60 =	vperm.xlane v17, v8;
	v59 =	vadd.s32 v3, v58;
	s1 =	rddreg [dreg:$0x17]  }
0x1ac: {  	[tilespmem:s6], [sflag:$0x1] =	stream.indirect_vreg.gather [hbm4b:s3+s2], $0x80, v18, vm0, $0xb8;
	[tilespmem:$0x11500] =	vst v63  }
0x1ad: {  	v61 =	vperm.xlane v17, v1;
	s6 =	rddreg [dreg:$0x18];
	v18 =	vadd.s32 v3, v60  }
0x1ae: {  	[tilespmem:s1], [sflag:$0x1] =	stream.indirect_vreg.gather [hbm4b:s3+s2], $0x80, v19, vm0, $0xb8;
	[tilespmem:$0x11500] =	vst v63  }
0x1af: {  	v62 =	vperm.xlane v17, v9;
	s1 =	rddreg [dreg:$0x19];
	v19 =	vadd.s32 v3, v61  }
0x1b0: {  	[tilespmem:s6], [sflag:$0x1] =	stream.indirect_vreg.gather [hbm4b:s3+s2], $0x80, v59, vm0, $0xb8;
	[tilespmem:$0x11500] =	vst v63  }
0x1b1: {  	v24 =	vperm.xlane v17, v10;
	v63 =	vadd.s32 v3, v62;
	s6 =	rddreg [dreg:$0x1a]  }
0x1b2: {  	[tilespmem:s1], [sflag:$0x1] =	stream.indirect_vreg.gather [hbm4b:s3+s2], $0x80, v18, vm0, $0xb8;
	[tilespmem:$0x11500] =	vst v63  }
0x1b3: {  	v25 =	vperm.xlane v17, v11;
	s1 =	rddreg [dreg:$0x1b];
	v18 =	vadd.s32 v3, v24  }
0x1b4: {  	[tilespmem:s6], [sflag:$0x1] =	stream.indirect_vreg.gather [hbm4b:s3+s2], $0x80, v19, vm0, $0xb8;
	[tilespmem:$0x11500] =	vst v63  }
0x1b5: {  	v26 =	vperm.xlane v17, v12;
	s6 =	rddreg [dreg:$0x1c];
	v19 =	vadd.s32 v3, v25  }
0x1b6: {  	[tilespmem:s1], [sflag:$0x1] =	stream.indirect_vreg.gather [hbm4b:s3+s2], $0x80, v63, vm0, $0xb8;
	[tilespmem:$0x11500] =	vst v63  }
0x1b7: {  	v28 =	vperm.xlane v17, v13;
	v27 =	vadd.s32 v3, v26;
	s1 =	rddreg [dreg:$0x1d]  }
0x1b8: {  	[tilespmem:s6], [sflag:$0x1] =	stream.indirect_vreg.gather [hbm4b:s3+s2], $0x80, v18, vm0, $0xb8;
	[tilespmem:$0x11500] =	vst v63  }
0x1b9: {  	v29 =	vperm.xlane v17, v14;
	s6 =	rddreg [dreg:$0x1e];
	v18 =	vadd.s32 v3, v28  }
0x1ba: {  	[tilespmem:s1], [sflag:$0x1] =	stream.indirect_vreg.gather [hbm4b:s3+s2], $0x80, v19, vm0, $0xb8;
	[tilespmem:$0x11500] =	vst v63  }
0x1bb: {  	v30 =	vperm.xlane v17, v15;
	s1 =	rddreg [dreg:$0x1f];
	v19 =	vadd.s32 v3, v29  }
0x1bc: {  	[tilespmem:s6], [sflag:$0x1] =	stream.indirect_vreg.gather [hbm4b:s3+s2], $0x80, v27, vm0, $0xb8;
	[tilespmem:$0x11500] =	vst v63  }
0x1bd: {  	v17 =	vperm.xlane v17, v16;
	v31 =	vadd.s32 v3, v30;
	s6 =	sld [smem:$0x6B7]  }
0x1be: {  	[tilespmem:s1], [sflag:$0x1] =	stream.indirect_vreg.gather [hbm4b:s3+s2], $0x80, v18, vm0, $0xb8;
	[tilespmem:$0x11500] =	vst v63  }
0x1bf: {  	v17 =	vadd.s32 v3, v17;
	s1 =	sld [smem:$0x6B8]  }
0x1c0: {  	[tilespmem:s6], [sflag:$0x1] =	stream.indirect_vreg.gather [hbm4b:s3+s2], $0x80, v19, vm0, $0xb8;
	[tilespmem:$0x11500] =	vst v63  }
0x1c1: {  	s6 =	sld [smem:$0x6B9]  }
0x1c2: {  	[tilespmem:s1], [sflag:$0x1] =	stream.indirect_vreg.gather [hbm4b:s3+s2], $0x80, v31, vm0, $0xb8;
	[tilespmem:$0x11500] =	vst v63  }
0x1c3: {  	_ = 	snop  }
0x1c4: {  	[tilespmem:s6], [sflag:$0x1] =	stream.indirect_vreg.gather [hbm4b:s3+s2], $0x80, v17, vm0, $0xb8;
	[tilespmem:$0x11500] =	vst v63  }
0x1c5: {  	v17 =	vld [tilespmem:$0x20];
	_ =	sdelay $0x4  }
0x1c6: {  	v18 =	vshrl.u32 v17, $0x3  }
0x1c7: {  	v18 =	vmul.u32 $0x18, v18  }
0x1c8: {  	v17 =	vand.u32 $0x7, v17  }
0x1c9: {  	v17 =	vor.u32 v17, v18  }
0x1ca: {  	v18 =	vperm.xlane v17, v2;
	_ =	sdelay $0x1  }
0x1cb: {  	v19 =	vperm.xlane v17, v4;
	v18 =	vadd.s32 v3, v18;
	_ =	sdelay $0x1  }
0x1cc: {  	s1 =	sld [smem:$0x6BA];
	v32 =	vperm.xlane v17, v5;
	v19 =	vadd.s32 v3, v19;
	_ =	sdelay $0x1  }
0x1cd: {  	s6 =	sld [smem:$0x6BB];
	v33 =	vperm.xlane v17, v0;
	v20 =	vadd.s32 v3, v32  }
0x1ce: {  	[tilespmem:s1], [sflag:$0x1] =	stream.indirect_vreg.gather [hbm4b:s3+s2], $0x80, v18, vm0, $0xb8;
	[tilespmem:$0x11500] =	vst v63  }
0x1cf: {  	v34 =	vperm.xlane v17, v6;
	s1 =	sld [smem:$0x6BC];
	v18 =	vadd.s32 v3, v33  }
0x1d0: {  	[tilespmem:s6], [sflag:$0x1] =	stream.indirect_vreg.gather [hbm4b:s3+s2], $0x80, v19, vm0, $0xb8;
	[tilespmem:$0x11500] =	vst v63  }
0x1d1: {  	v35 =	vperm.xlane v17, v7;
	s6 =	sld [smem:$0x6BD];
	v19 =	vadd.s32 v3, v34  }
0x1d2: {  	[tilespmem:s1], [sflag:$0x1] =	stream.indirect_vreg.gather [hbm4b:s3+s2], $0x80, v20, vm0, $0xb8;
	[tilespmem:$0x11500] =	vst v63  }
0x1d3: {  	v37 =	vperm.xlane v17, v8;
	v36 =	vadd.s32 v3, v35;
	s1 =	sld [smem:$0x6BE]  }
0x1d4: {  	[tilespmem:s6], [sflag:$0x1] =	stream.indirect_vreg.gather [hbm4b:s3+s2], $0x80, v18, vm0, $0xb8;
	[tilespmem:$0x11500] =	vst v63  }
0x1d5: {  	v38 =	vperm.xlane v17, v1;
	s6 =	sld [smem:$0x6BF];
	v18 =	vadd.s32 v3, v37  }
0x1d6: {  	[tilespmem:s1], [sflag:$0x1] =	stream.indirect_vreg.gather [hbm4b:s3+s2], $0x80, v19, vm0, $0xb8;
	[tilespmem:$0x11500] =	vst v63  }
0x1d7: {  	v39 =	vperm.xlane v17, v9;
	s1 =	sld [smem:$0x6C0];
	v19 =	vadd.s32 v3, v38  }
0x1d8: {  	[tilespmem:s6], [sflag:$0x1] =	stream.indirect_vreg.gather [hbm4b:s3+s2], $0x80, v36, vm0, $0xb8;
	[tilespmem:$0x11500] =	vst v63  }
0x1d9: {  	v41 =	vperm.xlane v17, v10;
	v40 =	vadd.s32 v3, v39;
	s6 =	sld [smem:$0x6C1]  }
0x1da: {  	[tilespmem:s1], [sflag:$0x1] =	stream.indirect_vreg.gather [hbm4b:s3+s2], $0x80, v18, vm0, $0xb8;
	[tilespmem:$0x11500] =	vst v63  }
0x1db: {  	v42 =	vperm.xlane v17, v11;
	s1 =	sld [smem:$0x6C2];
	v18 =	vadd.s32 v3, v41  }
0x1dc: {  	[tilespmem:s6], [sflag:$0x1] =	stream.indirect_vreg.gather [hbm4b:s3+s2], $0x80, v19, vm0, $0xb8;
	[tilespmem:$0x11500] =	vst v63  }
0x1dd: {  	v43 =	vperm.xlane v17, v12;
	s6 =	sld [smem:$0x6C3];
	v19 =	vadd.s32 v3, v42  }
0x1de: {  	[tilespmem:s1], [sflag:$0x1] =	stream.indirect_vreg.gather [hbm4b:s3+s2], $0x80, v40, vm0, $0xb8;
	[tilespmem:$0x11500] =	vst v63  }
0x1df: {  	v45 =	vperm.xlane v17, v13;
	v44 =	vadd.s32 v3, v43;
	s1 =	sld [smem:$0x6C4]  }
0x1e0: {  	[tilespmem:s6], [sflag:$0x1] =	stream.indirect_vreg.gather [hbm4b:s3+s2], $0x80, v18, vm0, $0xb8;
	[tilespmem:$0x11500] =	vst v63  }
0x1e1: {  	v46 =	vperm.xlane v17, v14;
	s6 =	sld [smem:$0x6C5];
	v18 =	vadd.s32 v3, v45  }
0x1e2: {  	[tilespmem:s1], [sflag:$0x1] =	stream.indirect_vreg.gather [hbm4b:s3+s2], $0x80, v19, vm0, $0xb8;
	[tilespmem:$0x11500] =	vst v63  }
0x1e3: {  	v47 =	vperm.xlane v17, v15;
	s1 =	sld [smem:$0x6C6];
	v19 =	vadd.s32 v3, v46  }
0x1e4: {  	[tilespmem:s6], [sflag:$0x1] =	stream.indirect_vreg.gather [hbm4b:s3+s2], $0x80, v44, vm0, $0xb8;
	[tilespmem:$0x11500] =	vst v63  }
0x1e5: {  	v17 =	vperm.xlane v17, v16;
	v48 =	vadd.s32 v3, v47;
	s6 =	sld [smem:$0x6C7]  }
0x1e6: {  	[tilespmem:s1], [sflag:$0x1] =	stream.indirect_vreg.gather [hbm4b:s3+s2], $0x80, v18, vm0, $0xb8;
	[tilespmem:$0x11500] =	vst v63  }
0x1e7: {  	v17 =	vadd.s32 v3, v17;
	s1 =	sld [smem:$0x6C8]  }
0x1e8: {  	[tilespmem:s6], [sflag:$0x1] =	stream.indirect_vreg.gather [hbm4b:s3+s2], $0x80, v19, vm0, $0xb8;
	[tilespmem:$0x11500] =	vst v63  }
0x1e9: {  	s6 =	sld [smem:$0x6C9]  }
0x1ea: {  	[tilespmem:s1], [sflag:$0x1] =	stream.indirect_vreg.gather [hbm4b:s3+s2], $0x80, v48, vm0, $0xb8;
	[tilespmem:$0x11500] =	vst v63  }
0x1eb: {  	_ = 	snop  }
0x1ec: {  	[tilespmem:s6], [sflag:$0x1] =	stream.indirect_vreg.gather [hbm4b:s3+s2], $0x80, v17, vm0, $0xb8;
	[tilespmem:$0x11500] =	vst v63  }
0x1ed: {  	v17 =	vld [tilespmem:$0x30];
	_ =	sdelay $0x4  }
0x1ee: {  	v18 =	vshrl.u32 v17, $0x3  }
0x1ef: {  	v18 =	vmul.u32 $0x18, v18  }
0x1f0: {  	v17 =	vand.u32 $0x7, v17  }
0x1f1: {  	v17 =	vor.u32 v17, v18  }
0x1f2: {  	v18 =	vperm.xlane v17, v2;
	_ =	sdelay $0x1  }
0x1f3: {  	v19 =	vperm.xlane v17, v4;
	v18 =	vadd.s32 v3, v18;
	_ =	sdelay $0x1  }
0x1f4: {  	s1 =	sld [smem:$0x6CA];
	v49 =	vperm.xlane v17, v5;
	v19 =	vadd.s32 v3, v19;
	_ =	sdelay $0x1  }
0x1f5: {  	s6 =	sld [smem:$0x6CB];
	v50 =	vperm.xlane v17, v0;
	v20 =	vadd.s32 v3, v49  }
0x1f6: {  	[tilespmem:s1], [sflag:$0x1] =	stream.indirect_vreg.gather [hbm4b:s3+s2], $0x80, v18, vm0, $0xb8;
	[tilespmem:$0x11500] =	vst v63  }
0x1f7: {  	v51 =	vperm.xlane v17, v6;
	s1 =	sld [smem:$0x6CC];
	v18 =	vadd.s32 v3, v50  }
0x1f8: {  	[tilespmem:s6], [sflag:$0x1] =	stream.indirect_vreg.gather [hbm4b:s3+s2], $0x80, v19, vm0, $0xb8;
	[tilespmem:$0x11500] =	vst v63  }
0x1f9: {  	v52 =	vperm.xlane v17, v7;
	s6 =	sld [smem:$0x6CD];
	v19 =	vadd.s32 v3, v51  }
0x1fa: {  	[tilespmem:s1], [sflag:$0x1] =	stream.indirect_vreg.gather [hbm4b:s3+s2], $0x80, v20, vm0, $0xb8;
	[tilespmem:$0x11500] =	vst v63  }
0x1fb: {  	v54 =	vperm.xlane v17, v8;
	v53 =	vadd.s32 v3, v52;
	s1 =	sld [smem:$0x6CE]  }
0x1fc: {  	[tilespmem:s6], [sflag:$0x1] =	stream.indirect_vreg.gather [hbm4b:s3+s2], $0x80, v18, vm0, $0xb8;
	[tilespmem:$0x11500] =	vst v63  }
0x1fd: {  	v55 =	vperm.xlane v17, v1;
	s6 =	sld [smem:$0x6CF];
	v18 =	vadd.s32 v3, v54  }
0x1fe: {  	[tilespmem:s1], [sflag:$0x1] =	stream.indirect_vreg.gather [hbm4b:s3+s2], $0x80, v19, vm0, $0xb8;
	[tilespmem:$0x11500] =	vst v63  }
0x1ff: {  	v56 =	vperm.xlane v17, v9;
	s1 =	sld [smem:$0x6D0];
	v19 =	vadd.s32 v3, v55  }
0x200: {  	[tilespmem:s6], [sflag:$0x1] =	stream.indirect_vreg.gather [hbm4b:s3+s2], $0x80, v53, vm0, $0xb8;
	[tilespmem:$0x11500] =	vst v63  }
0x201: {  	v58 =	vperm.xlane v17, v10;
	v57 =	vadd.s32 v3, v56;
	s6 =	sld [smem:$0x6D1]  }
0x202: {  	[tilespmem:s1], [sflag:$0x1] =	stream.indirect_vreg.gather [hbm4b:s3+s2], $0x80, v18, vm0, $0xb8;
	[tilespmem:$0x11500] =	vst v63  }
0x203: {  	v59 =	vperm.xlane v17, v11;
	s1 =	sld [smem:$0x6D2];
	v18 =	vadd.s32 v3, v58  }
0x204: {  	[tilespmem:s6], [sflag:$0x1] =	stream.indirect_vreg.gather [hbm4b:s3+s2], $0x80, v19, vm0, $0xb8;
	[tilespmem:$0x11500] =	vst v63  }
0x205: {  	v60 =	vperm.xlane v17, v12;
	s6 =	sld [smem:$0x6D3];
	v19 =	vadd.s32 v3, v59  }
0x206: {  	[tilespmem:s1], [sflag:$0x1] =	stream.indirect_vreg.gather [hbm4b:s3+s2], $0x80, v57, vm0, $0xb8;
	[tilespmem:$0x11500] =	vst v63  }
0x207: {  	v62 =	vperm.xlane v17, v13;
	v61 =	vadd.s32 v3, v60;
	s1 =	sld [smem:$0x6D4]  }
0x208: {  	[tilespmem:s6], [sflag:$0x1] =	stream.indirect_vreg.gather [hbm4b:s3+s2], $0x80, v18, vm0, $0xb8;
	[tilespmem:$0x11500] =	vst v63  }
0x209: {  	v63 =	vperm.xlane v17, v14;
	s6 =	sld [smem:$0x6D5];
	v18 =	vadd.s32 v3, v62  }
0x20a: {  	[tilespmem:s1], [sflag:$0x1] =	stream.indirect_vreg.gather [hbm4b:s3+s2], $0x80, v19, vm0, $0xb8;
	[tilespmem:$0x11500] =	vst v63  }
0x20b: {  	v24 =	vperm.xlane v17, v15;
	s1 =	sld [smem:$0x6D6];
	v19 =	vadd.s32 v3, v63  }
0x20c: {  	[tilespmem:s6], [sflag:$0x1] =	stream.indirect_vreg.gather [hbm4b:s3+s2], $0x80, v61, vm0, $0xb8;
	[tilespmem:$0x11500] =	vst v63  }
0x20d: {  	v17 =	vperm.xlane v17, v16;
	v25 =	vadd.s32 v3, v24;
	s6 =	sld [smem:$0x6D7]  }
0x20e: {  	[tilespmem:s1], [sflag:$0x1] =	stream.indirect_vreg.gather [hbm4b:s3+s2], $0x80, v18, vm0, $0xb8;
	[tilespmem:$0x11500] =	vst v63  }
0x20f: {  	v17 =	vadd.s32 v3, v17;
	s1 =	sld [smem:$0x6D8]  }
0x210: {  	[tilespmem:s6], [sflag:$0x1] =	stream.indirect_vreg.gather [hbm4b:s3+s2], $0x80, v19, vm0, $0xb8;
	[tilespmem:$0x11500] =	vst v63  }
0x211: {  	s6 =	sld [smem:$0x6D9]  }
0x212: {  	[tilespmem:s1], [sflag:$0x1] =	stream.indirect_vreg.gather [hbm4b:s3+s2], $0x80, v25, vm0, $0xb8;
	[tilespmem:$0x11500] =	vst v63  }
0x213: {  	_ = 	snop  }
0x214: {  	[tilespmem:s6], [sflag:$0x1] =	stream.indirect_vreg.gather [hbm4b:s3+s2], $0x80, v17, vm0, $0xb8;
	[tilespmem:$0x11500] =	vst v63  }
0x215: {  	v17 =	vld [tilespmem:$0x40];
	_ =	sdelay $0x4  }
0x216: {  	v18 =	vshrl.u32 v17, $0x3  }
0x217: {  	v18 =	vmul.u32 $0x18, v18  }
0x218: {  	v17 =	vand.u32 $0x7, v17  }
0x219: {  	v17 =	vor.u32 v17, v18  }
0x21a: {  	v18 =	vperm.xlane v17, v2;
	_ =	sdelay $0x1  }
0x21b: {  	v19 =	vperm.xlane v17, v4;
	v18 =	vadd.s32 v3, v18;
	_ =	sdelay $0x1  }
0x21c: {  	s1 =	sld [smem:$0x6DA];
	v26 =	vperm.xlane v17, v5;
	v19 =	vadd.s32 v3, v19;
	_ =	sdelay $0x1  }
0x21d: {  	s6 =	sld [smem:$0x6DB];
	v27 =	vperm.xlane v17, v0;
	v20 =	vadd.s32 v3, v26  }
0x21e: {  	[tilespmem:s1], [sflag:$0x1] =	stream.indirect_vreg.gather [hbm4b:s3+s2], $0x80, v18, vm0, $0xb8;
	[tilespmem:$0x11500] =	vst v63  }
0x21f: {  	v28 =	vperm.xlane v17, v6;
	s1 =	sld [smem:$0x6DC];
	v18 =	vadd.s32 v3, v27  }
0x220: {  	[tilespmem:s6], [sflag:$0x1] =	stream.indirect_vreg.gather [hbm4b:s3+s2], $0x80, v19, vm0, $0xb8;
	[tilespmem:$0x11500] =	vst v63  }
0x221: {  	v29 =	vperm.xlane v17, v7;
	s6 =	sld [smem:$0x6DD];
	v19 =	vadd.s32 v3, v28  }
0x222: {  	[tilespmem:s1], [sflag:$0x1] =	stream.indirect_vreg.gather [hbm4b:s3+s2], $0x80, v20, vm0, $0xb8;
	[tilespmem:$0x11500] =	vst v63  }
0x223: {  	v31 =	vperm.xlane v17, v8;
	v30 =	vadd.s32 v3, v29;
	s1 =	sld [smem:$0x6DE]  }
0x224: {  	[tilespmem:s6], [sflag:$0x1] =	stream.indirect_vreg.gather [hbm4b:s3+s2], $0x80, v18, vm0, $0xb8;
	[tilespmem:$0x11500] =	vst v63  }
0x225: {  	v32 =	vperm.xlane v17, v1;
	s6 =	sld [smem:$0x6DF];
	v18 =	vadd.s32 v3, v31  }
0x226: {  	[tilespmem:s1], [sflag:$0x1] =	stream.indirect_vreg.gather [hbm4b:s3+s2], $0x80, v19, vm0, $0xb8;
	[tilespmem:$0x11500] =	vst v63  }
0x227: {  	v33 =	vperm.xlane v17, v9;
	s1 =	sld [smem:$0x6E0];
	v19 =	vadd.s32 v3, v32  }
0x228: {  	[tilespmem:s6], [sflag:$0x1] =	stream.indirect_vreg.gather [hbm4b:s3+s2], $0x80, v30, vm0, $0xb8;
	[tilespmem:$0x11500] =	vst v63  }
0x229: {  	v35 =	vperm.xlane v17, v10;
	v34 =	vadd.s32 v3, v33;
	s6 =	sld [smem:$0x6E1]  }
0x22a: {  	[tilespmem:s1], [sflag:$0x1] =	stream.indirect_vreg.gather [hbm4b:s3+s2], $0x80, v18, vm0, $0xb8;
	[tilespmem:$0x11500] =	vst v63  }
0x22b: {  	v36 =	vperm.xlane v17, v11;
	s1 =	sld [smem:$0x6E2];
	v18 =	vadd.s32 v3, v35  }
0x22c: {  	[tilespmem:s6], [sflag:$0x1] =	stream.indirect_vreg.gather [hbm4b:s3+s2], $0x80, v19, vm0, $0xb8;
	[tilespmem:$0x11500] =	vst v63  }
0x22d: {  	v37 =	vperm.xlane v17, v12;
	s6 =	sld [smem:$0x6E3];
	v19 =	vadd.s32 v3, v36  }
0x22e: {  	[tilespmem:s1], [sflag:$0x1] =	stream.indirect_vreg.gather [hbm4b:s3+s2], $0x80, v34, vm0, $0xb8;
	[tilespmem:$0x11500] =	vst v63  }
0x22f: {  	v39 =	vperm.xlane v17, v13;
	v38 =	vadd.s32 v3, v37;
	s1 =	sld [smem:$0x6E4]  }
0x230: {  	[tilespmem:s6], [sflag:$0x1] =	stream.indirect_vreg.gather [hbm4b:s3+s2], $0x80, v18, vm0, $0xb8;
	[tilespmem:$0x11500] =	vst v63  }
0x231: {  	v40 =	vperm.xlane v17, v14;
	s6 =	sld [smem:$0x6E5];
	v18 =	vadd.s32 v3, v39  }
0x232: {  	[tilespmem:s1], [sflag:$0x1] =	stream.indirect_vreg.gather [hbm4b:s3+s2], $0x80, v19, vm0, $0xb8;
	[tilespmem:$0x11500] =	vst v63  }
0x233: {  	v41 =	vperm.xlane v17, v15;
	s1 =	sld [smem:$0x6E6];
	v19 =	vadd.s32 v3, v40  }
0x234: {  	[tilespmem:s6], [sflag:$0x1] =	stream.indirect_vreg.gather [hbm4b:s3+s2], $0x80, v38, vm0, $0xb8;
	[tilespmem:$0x11500] =	vst v63  }
0x235: {  	v17 =	vperm.xlane v17, v16;
	v42 =	vadd.s32 v3, v41;
	s6 =	sld [smem:$0x6E7]  }
0x236: {  	[tilespmem:s1], [sflag:$0x1] =	stream.indirect_vreg.gather [hbm4b:s3+s2], $0x80, v18, vm0, $0xb8;
	[tilespmem:$0x11500] =	vst v63  }
0x237: {  	v17 =	vadd.s32 v3, v17;
	s1 =	sld [smem:$0x6E8]  }
0x238: {  	[tilespmem:s6], [sflag:$0x1] =	stream.indirect_vreg.gather [hbm4b:s3+s2], $0x80, v19, vm0, $0xb8;
	[tilespmem:$0x11500] =	vst v63  }
0x239: {  	s6 =	sld [smem:$0x6E9]  }
0x23a: {  	[tilespmem:s1], [sflag:$0x1] =	stream.indirect_vreg.gather [hbm4b:s3+s2], $0x80, v42, vm0, $0xb8;
	[tilespmem:$0x11500] =	vst v63  }
0x23b: {  	_ = 	snop  }
0x23c: {  	[tilespmem:s6], [sflag:$0x1] =	stream.indirect_vreg.gather [hbm4b:s3+s2], $0x80, v17, vm0, $0xb8;
	[tilespmem:$0x11500] =	vst v63  }
0x23d: {  	v17 =	vld [tilespmem:$0x50];
	_ =	sdelay $0x4  }
0x23e: {  	v18 =	vshrl.u32 v17, $0x3  }
0x23f: {  	v18 =	vmul.u32 $0x18, v18  }
0x240: {  	v17 =	vand.u32 $0x7, v17  }
0x241: {  	v17 =	vor.u32 v17, v18  }
0x242: {  	v18 =	vperm.xlane v17, v2;
	_ =	sdelay $0x1  }
0x243: {  	v19 =	vperm.xlane v17, v4;
	v18 =	vadd.s32 v3, v18;
	_ =	sdelay $0x1  }
0x244: {  	s1 =	sld [smem:$0x6EA];
	v43 =	vperm.xlane v17, v5;
	v19 =	vadd.s32 v3, v19;
	_ =	sdelay $0x1  }
0x245: {  	s6 =	sld [smem:$0x6EB];
	v44 =	vperm.xlane v17, v0;
	v20 =	vadd.s32 v3, v43  }
0x246: {  	[tilespmem:s1], [sflag:$0x1] =	stream.indirect_vreg.gather [hbm4b:s3+s2], $0x80, v18, vm0, $0xb8;
	[tilespmem:$0x11500] =	vst v63  }
0x247: {  	v45 =	vperm.xlane v17, v6;
	s1 =	sld [smem:$0x6EC];
	v18 =	vadd.s32 v3, v44  }
0x248: {  	[tilespmem:s6], [sflag:$0x1] =	stream.indirect_vreg.gather [hbm4b:s3+s2], $0x80, v19, vm0, $0xb8;
	[tilespmem:$0x11500] =	vst v63  }
0x249: {  	v46 =	vperm.xlane v17, v7;
	s6 =	sld [smem:$0x6ED];
	v19 =	vadd.s32 v3, v45  }
0x24a: {  	[tilespmem:s1], [sflag:$0x1] =	stream.indirect_vreg.gather [hbm4b:s3+s2], $0x80, v20, vm0, $0xb8;
	[tilespmem:$0x11500] =	vst v63  }
0x24b: {  	v48 =	vperm.xlane v17, v8;
	v47 =	vadd.s32 v3, v46;
	s1 =	sld [smem:$0x6EE]  }
0x24c: {  	[tilespmem:s6], [sflag:$0x1] =	stream.indirect_vreg.gather [hbm4b:s3+s2], $0x80, v18, vm0, $0xb8;
	[tilespmem:$0x11500] =	vst v63  }
0x24d: {  	v49 =	vperm.xlane v17, v1;
	s6 =	sld [smem:$0x6EF];
	v18 =	vadd.s32 v3, v48  }
0x24e: {  	[tilespmem:s1], [sflag:$0x1] =	stream.indirect_vreg.gather [hbm4b:s3+s2], $0x80, v19, vm0, $0xb8;
	[tilespmem:$0x11500] =	vst v63  }
0x24f: {  	v50 =	vperm.xlane v17, v9;
	s1 =	sld [smem:$0x6F0];
	v19 =	vadd.s32 v3, v49  }
0x250: {  	[tilespmem:s6], [sflag:$0x1] =	stream.indirect_vreg.gather [hbm4b:s3+s2], $0x80, v47, vm0, $0xb8;
	[tilespmem:$0x11500] =	vst v63  }
0x251: {  	v52 =	vperm.xlane v17, v10;
	v51 =	vadd.s32 v3, v50;
	s6 =	sld [smem:$0x6F1]  }
0x252: {  	[tilespmem:s1], [sflag:$0x1] =	stream.indirect_vreg.gather [hbm4b:s3+s2], $0x80, v18, vm0, $0xb8;
	[tilespmem:$0x11500] =	vst v63  }
0x253: {  	v53 =	vperm.xlane v17, v11;
	s1 =	sld [smem:$0x6F2];
	v18 =	vadd.s32 v3, v52  }
0x254: {  	[tilespmem:s6], [sflag:$0x1] =	stream.indirect_vreg.gather [hbm4b:s3+s2], $0x80, v19, vm0, $0xb8;
	[tilespmem:$0x11500] =	vst v63  }
0x255: {  	v54 =	vperm.xlane v17, v12;
	s6 =	sld [smem:$0x6F3];
	v19 =	vadd.s32 v3, v53  }
0x256: {  	[tilespmem:s1], [sflag:$0x1] =	stream.indirect_vreg.gather [hbm4b:s3+s2], $0x80, v51, vm0, $0xb8;
	[tilespmem:$0x11500] =	vst v63  }
0x257: {  	v56 =	vperm.xlane v17, v13;
	v55 =	vadd.s32 v3, v54;
	s1 =	sld [smem:$0x6F4]  }
0x258: {  	[tilespmem:s6], [sflag:$0x1] =	stream.indirect_vreg.gather [hbm4b:s3+s2], $0x80, v18, vm0, $0xb8;
	[tilespmem:$0x11500] =	vst v63  }
0x259: {  	v57 =	vperm.xlane v17, v14;
	s6 =	sld [smem:$0x6F5];
	v18 =	vadd.s32 v3, v56  }
0x25a: {  	[tilespmem:s1], [sflag:$0x1] =	stream.indirect_vreg.gather [hbm4b:s3+s2], $0x80, v19, vm0, $0xb8;
	[tilespmem:$0x11500] =	vst v63  }
0x25b: {  	v58 =	vperm.xlane v17, v15;
	s1 =	sld [smem:$0x6F6];
	v19 =	vadd.s32 v3, v57  }
0x25c: {  	[tilespmem:s6], [sflag:$0x1] =	stream.indirect_vreg.gather [hbm4b:s3+s2], $0x80, v55, vm0, $0xb8;
	[tilespmem:$0x11500] =	vst v63  }
0x25d: {  	v17 =	vperm.xlane v17, v16;
	v59 =	vadd.s32 v3, v58;
	s6 =	sld [smem:$0x6F7]  }
0x25e: {  	[tilespmem:s1], [sflag:$0x1] =	stream.indirect_vreg.gather [hbm4b:s3+s2], $0x80, v18, vm0, $0xb8;
	[tilespmem:$0x11500] =	vst v63  }
0x25f: {  	v17 =	vadd.s32 v3, v17;
	s1 =	sld [smem:$0x6F8]  }
0x260: {  	[tilespmem:s6], [sflag:$0x1] =	stream.indirect_vreg.gather [hbm4b:s3+s2], $0x80, v19, vm0, $0xb8;
	[tilespmem:$0x11500] =	vst v63  }
0x261: {  	s6 =	sld [smem:$0x6F9]  }
0x262: {  	[tilespmem:s1], [sflag:$0x1] =	stream.indirect_vreg.gather [hbm4b:s3+s2], $0x80, v59, vm0, $0xb8;
	[tilespmem:$0x11500] =	vst v63  }
0x263: {  	_ = 	snop  }
0x264: {  	[tilespmem:s6], [sflag:$0x1] =	stream.indirect_vreg.gather [hbm4b:s3+s2], $0x80, v17, vm0, $0xb8;
	[tilespmem:$0x11500] =	vst v63  }
0x265: {  	v17 =	vld [tilespmem:$0x60];
	_ =	sdelay $0x4  }
0x266: {  	v18 =	vshrl.u32 v17, $0x3  }
0x267: {  	v18 =	vmul.u32 $0x18, v18  }
0x268: {  	v17 =	vand.u32 $0x7, v17  }
0x269: {  	v17 =	vor.u32 v17, v18  }
0x26a: {  	v18 =	vperm.xlane v17, v2;
	_ =	sdelay $0x1  }
0x26b: {  	v19 =	vperm.xlane v17, v4;
	v18 =	vadd.s32 v3, v18;
	_ =	sdelay $0x1  }
0x26c: {  	s1 =	sld [smem:$0x6FA];
	v60 =	vperm.xlane v17, v5;
	v19 =	vadd.s32 v3, v19;
	_ =	sdelay $0x1  }
0x26d: {  	s6 =	sld [smem:$0x6FB];
	v61 =	vperm.xlane v17, v0;
	v20 =	vadd.s32 v3, v60  }
0x26e: {  	[tilespmem:s1], [sflag:$0x1] =	stream.indirect_vreg.gather [hbm4b:s3+s2], $0x80, v18, vm0, $0xb8;
	[tilespmem:$0x11500] =	vst v63  }
0x26f: {  	v62 =	vperm.xlane v17, v6;
	s1 =	sld [smem:$0x6FC];
	v18 =	vadd.s32 v3, v61  }
0x270: {  	[tilespmem:s6], [sflag:$0x1] =	stream.indirect_vreg.gather [hbm4b:s3+s2], $0x80, v19, vm0, $0xb8;
	[tilespmem:$0x11500] =	vst v63  }
0x271: {  	v63 =	vperm.xlane v17, v7;
	s6 =	sld [smem:$0x6FD];
	v19 =	vadd.s32 v3, v62  }
0x272: {  	[tilespmem:s1], [sflag:$0x1] =	stream.indirect_vreg.gather [hbm4b:s3+s2], $0x80, v20, vm0, $0xb8;
	[tilespmem:$0x11500] =	vst v63  }
0x273: {  	v25 =	vperm.xlane v17, v8;
	v24 =	vadd.s32 v3, v63;
	s1 =	sld [smem:$0x6FE]  }
0x274: {  	[tilespmem:s6], [sflag:$0x1] =	stream.indirect_vreg.gather [hbm4b:s3+s2], $0x80, v18, vm0, $0xb8;
	[tilespmem:$0x11500] =	vst v63  }
0x275: {  	v26 =	vperm.xlane v17, v1;
	s6 =	sld [smem:$0x6FF];
	v18 =	vadd.s32 v3, v25  }
0x276: {  	[tilespmem:s1], [sflag:$0x1] =	stream.indirect_vreg.gather [hbm4b:s3+s2], $0x80, v19, vm0, $0xb8;
	[tilespmem:$0x11500] =	vst v63  }
0x277: {  	v27 =	vperm.xlane v17, v9;
	s1 =	sld [smem:$0x700];
	v19 =	vadd.s32 v3, v26  }
0x278: {  	[tilespmem:s6], [sflag:$0x1] =	stream.indirect_vreg.gather [hbm4b:s3+s2], $0x80, v24, vm0, $0xb8;
	[tilespmem:$0x11500] =	vst v63  }
0x279: {  	v29 =	vperm.xlane v17, v10;
	v28 =	vadd.s32 v3, v27;
	s6 =	sld [smem:$0x701]  }
0x27a: {  	[tilespmem:s1], [sflag:$0x1] =	stream.indirect_vreg.gather [hbm4b:s3+s2], $0x80, v18, vm0, $0xb8;
	[tilespmem:$0x11500] =	vst v63  }
0x27b: {  	v30 =	vperm.xlane v17, v11;
	s1 =	sld [smem:$0x702];
	v18 =	vadd.s32 v3, v29  }
0x27c: {  	[tilespmem:s6], [sflag:$0x1] =	stream.indirect_vreg.gather [hbm4b:s3+s2], $0x80, v19, vm0, $0xb8;
	[tilespmem:$0x11500] =	vst v63  }
0x27d: {  	v31 =	vperm.xlane v17, v12;
	s6 =	sld [smem:$0x703];
	v19 =	vadd.s32 v3, v30  }
0x27e: {  	[tilespmem:s1], [sflag:$0x1] =	stream.indirect_vreg.gather [hbm4b:s3+s2], $0x80, v28, vm0, $0xb8;
	[tilespmem:$0x11500] =	vst v63  }
0x27f: {  	v33 =	vperm.xlane v17, v13;
	v32 =	vadd.s32 v3, v31;
	s1 =	sld [smem:$0x704]  }
0x280: {  	[tilespmem:s6], [sflag:$0x1] =	stream.indirect_vreg.gather [hbm4b:s3+s2], $0x80, v18, vm0, $0xb8;
	[tilespmem:$0x11500] =	vst v63  }
0x281: {  	v34 =	vperm.xlane v17, v14;
	s6 =	sld [smem:$0x705];
	v18 =	vadd.s32 v3, v33  }
0x282: {  	[tilespmem:s1], [sflag:$0x1] =	stream.indirect_vreg.gather [hbm4b:s3+s2], $0x80, v19, vm0, $0xb8;
	[tilespmem:$0x11500] =	vst v63  }
0x283: {  	v35 =	vperm.xlane v17, v15;
	s1 =	sld [smem:$0x706];
	v19 =	vadd.s32 v3, v34  }
0x284: {  	[tilespmem:s6], [sflag:$0x1] =	stream.indirect_vreg.gather [hbm4b:s3+s2], $0x80, v32, vm0, $0xb8;
	[tilespmem:$0x11500] =	vst v63  }
0x285: {  	v17 =	vperm.xlane v17, v16;
	v36 =	vadd.s32 v3, v35;
	s6 =	sld [smem:$0x707]  }
0x286: {  	[tilespmem:s1], [sflag:$0x1] =	stream.indirect_vreg.gather [hbm4b:s3+s2], $0x80, v18, vm0, $0xb8;
	[tilespmem:$0x11500] =	vst v63  }
0x287: {  	v17 =	vadd.s32 v3, v17;
	s1 =	sld [smem:$0x708]  }
0x288: {  	[tilespmem:s6], [sflag:$0x1] =	stream.indirect_vreg.gather [hbm4b:s3+s2], $0x80, v19, vm0, $0xb8;
	[tilespmem:$0x11500] =	vst v63  }
0x289: {  	s6 =	sld [smem:$0x709]  }
0x28a: {  	[tilespmem:s1], [sflag:$0x1] =	stream.indirect_vreg.gather [hbm4b:s3+s2], $0x80, v36, vm0, $0xb8;
	[tilespmem:$0x11500] =	vst v63  }
0x28b: {  	_ = 	snop  }
0x28c: {  	[tilespmem:s6], [sflag:$0x1] =	stream.indirect_vreg.gather [hbm4b:s3+s2], $0x80, v17, vm0, $0xb8;
	[tilespmem:$0x11500] =	vst v63  }
0x28d: {  	v17 =	vld [tilespmem:$0x70];
	_ =	sdelay $0x4  }
0x28e: {  	v18 =	vshrl.u32 v17, $0x3  }
0x28f: {  	v18 =	vmul.u32 $0x18, v18  }
0x290: {  	v17 =	vand.u32 $0x7, v17  }
0x291: {  	v17 =	vor.u32 v17, v18  }
0x292: {  	v18 =	vperm.xlane v17, v2;
	_ =	sdelay $0x1  }
0x293: {  	v19 =	vperm.xlane v17, v4;
	v18 =	vadd.s32 v3, v18;
	_ =	sdelay $0x1  }
0x294: {  	s1 =	sld [smem:$0x70A];
	v37 =	vperm.xlane v17, v5;
	v19 =	vadd.s32 v3, v19;
	_ =	sdelay $0x1  }
0x295: {  	s6 =	sld [smem:$0x70B];
	v38 =	vperm.xlane v17, v0;
	v20 =	vadd.s32 v3, v37  }
0x296: {  	[tilespmem:s1], [sflag:$0x1] =	stream.indirect_vreg.gather [hbm4b:s3+s2], $0x80, v18, vm0, $0xb8;
	[tilespmem:$0x11500] =	vst v63  }
0x297: {  	v39 =	vperm.xlane v17, v6;
	s1 =	sld [smem:$0x70C];
	v18 =	vadd.s32 v3, v38  }
0x298: {  	[tilespmem:s6], [sflag:$0x1] =	stream.indirect_vreg.gather [hbm4b:s3+s2], $0x80, v19, vm0, $0xb8;
	[tilespmem:$0x11500] =	vst v63  }
0x299: {  	v40 =	vperm.xlane v17, v7;
	s6 =	sld [smem:$0x70D];
	v19 =	vadd.s32 v3, v39  }
0x29a: {  	[tilespmem:s1], [sflag:$0x1] =	stream.indirect_vreg.gather [hbm4b:s3+s2], $0x80, v20, vm0, $0xb8;
	[tilespmem:$0x11500] =	vst v63  }
0x29b: {  	v42 =	vperm.xlane v17, v8;
	v41 =	vadd.s32 v3, v40;
	s1 =	sld [smem:$0x70E]  }
0x29c: {  	[tilespmem:s6], [sflag:$0x1] =	stream.indirect_vreg.gather [hbm4b:s3+s2], $0x80, v18, vm0, $0xb8;
	[tilespmem:$0x11500] =	vst v63  }
0x29d: {  	v43 =	vperm.xlane v17, v1;
	s6 =	sld [smem:$0x70F];
	v18 =	vadd.s32 v3, v42  }
0x29e: {  	[tilespmem:s1], [sflag:$0x1] =	stream.indirect_vreg.gather [hbm4b:s3+s2], $0x80, v19, vm0, $0xb8;
	[tilespmem:$0x11500] =	vst v63  }
0x29f: {  	v44 =	vperm.xlane v17, v9;
	s1 =	sld [smem:$0x710];
	v19 =	vadd.s32 v3, v43  }
0x2a0: {  	[tilespmem:s6], [sflag:$0x1] =	stream.indirect_vreg.gather [hbm4b:s3+s2], $0x80, v41, vm0, $0xb8;
	[tilespmem:$0x11500] =	vst v63  }
0x2a1: {  	v46 =	vperm.xlane v17, v10;
	v45 =	vadd.s32 v3, v44;
	s6 =	sld [smem:$0x711]  }
0x2a2: {  	[tilespmem:s1], [sflag:$0x1] =	stream.indirect_vreg.gather [hbm4b:s3+s2], $0x80, v18, vm0, $0xb8;
	[tilespmem:$0x11500] =	vst v63  }
0x2a3: {  	v47 =	vperm.xlane v17, v11;
	s1 =	sld [smem:$0x712];
	v18 =	vadd.s32 v3, v46  }
0x2a4: {  	[tilespmem:s6], [sflag:$0x1] =	stream.indirect_vreg.gather [hbm4b:s3+s2], $0x80, v19, vm0, $0xb8;
	[tilespmem:$0x11500] =	vst v63  }
0x2a5: {  	v48 =	vperm.xlane v17, v12;
	s6 =	sld [smem:$0x713];
	v19 =	vadd.s32 v3, v47  }
0x2a6: {  	[tilespmem:s1], [sflag:$0x1] =	stream.indirect_vreg.gather [hbm4b:s3+s2], $0x80, v45, vm0, $0xb8;
	[tilespmem:$0x11500] =	vst v63  }
0x2a7: {  	v50 =	vperm.xlane v17, v13;
	v49 =	vadd.s32 v3, v48;
	s1 =	sld [smem:$0x714]  }
0x2a8: {  	[tilespmem:s6], [sflag:$0x1] =	stream.indirect_vreg.gather [hbm4b:s3+s2], $0x80, v18, vm0, $0xb8;
	[tilespmem:$0x11500] =	vst v63  }
0x2a9: {  	v51 =	vperm.xlane v17, v14;
	s6 =	sld [smem:$0x715];
	v18 =	vadd.s32 v3, v50  }
0x2aa: {  	[tilespmem:s1], [sflag:$0x1] =	stream.indirect_vreg.gather [hbm4b:s3+s2], $0x80, v19, vm0, $0xb8;
	[tilespmem:$0x11500] =	vst v63  }
0x2ab: {  	v52 =	vperm.xlane v17, v15;
	s1 =	sld [smem:$0x716];
	v19 =	vadd.s32 v3, v51  }
0x2ac: {  	[tilespmem:s6], [sflag:$0x1] =	stream.indirect_vreg.gather [hbm4b:s3+s2], $0x80, v49, vm0, $0xb8;
	[tilespmem:$0x11500] =	vst v63  }
0x2ad: {  	v53 =	vadd.s32 v3, v52;
	s6 =	sld [smem:$0x717]  }
0x2ae: {  	[tilespmem:s1], [sflag:$0x1] =	stream.indirect_vreg.gather [hbm4b:s3+s2], $0x80, v18, vm0, $0xb8;
	[tilespmem:$0x11500] =	vst v63  }
0x2af: {  	v17 =	vperm.xlane v17, v16;
	s1 =	sld [smem:$0x718]  }
0x2b0: {  	[tilespmem:s6], [sflag:$0x1] =	stream.indirect_vreg.gather [hbm4b:s3+s2], $0x80, v19, vm0, $0xb8;
	[tilespmem:$0x11500] =	vst v63  }
0x2b1: {  	v17 =	vadd.s32 v3, v17  }
0x2b2: {  	[tilespmem:s1], [sflag:$0x1] =	stream.indirect_vreg.gather [hbm4b:s3+s2], $0x80, v53, vm0, $0xb8;
	[tilespmem:$0x11500] =	vst v63  }
0x2b3: {  	s1 =	sld [smem:$0x719];
	_ =	sdelay $0x2  }
0x2b4: {  	[tilespmem:s1], [sflag:$0x1] =	stream.indirect_vreg.gather [hbm4b:s3+s2], $0x80, v17, vm0, $0xb8;
	[tilespmem:$0x11500] =	vst v63  }
0x2b5: {  	v17 =	vld [tilespmem:$0x80];
	_ =	sdelay $0x4  }
0x2b6: {  	v18 =	vshrl.u32 v17, $0x3  }
0x2b7: {  	v18 =	vmul.u32 $0x18, v18  }
0x2b8: {  	v17 =	vand.u32 $0x7, v17  }
0x2b9: {  	v17 =	vor.u32 v17, v18  }
0x2ba: {  	v18 =	vperm.xlane v17, v2;
	_ =	sdelay $0x1  }
0x2bb: {  	v19 =	vperm.xlane v17, v4;
	v18 =	vadd.s32 v3, v18;
	_ =	sdelay $0x1  }
0x2bc: {  	s1 =	sld [smem:$0x71A];
	v54 =	vperm.xlane v17, v5;
	v19 =	vadd.s32 v3, v19;
	_ =	sdelay $0x1  }
0x2bd: {  	s6 =	sld [smem:$0x71B];
	v55 =	vperm.xlane v17, v0;
	v20 =	vadd.s32 v3, v54  }
0x2be: {  	[tilespmem:s1], [sflag:$0x1] =	stream.indirect_vreg.gather [hbm4b:s3+s2], $0x80, v18, vm0, $0xb8;
	[tilespmem:$0x11500] =	vst v63  }
0x2bf: {  	v56 =	vperm.xlane v17, v6;
	s1 =	sld [smem:$0x71C];
	v18 =	vadd.s32 v3, v55  }
0x2c0: {  	[tilespmem:s6], [sflag:$0x1] =	stream.indirect_vreg.gather [hbm4b:s3+s2], $0x80, v19, vm0, $0xb8;
	[tilespmem:$0x11500] =	vst v63  }
0x2c1: {  	v57 =	vperm.xlane v17, v7;
	s6 =	sld [smem:$0x71D];
	v19 =	vadd.s32 v3, v56  }
0x2c2: {  	[tilespmem:s1], [sflag:$0x1] =	stream.indirect_vreg.gather [hbm4b:s3+s2], $0x80, v20, vm0, $0xb8;
	[tilespmem:$0x11500] =	vst v63  }
0x2c3: {  	v59 =	vperm.xlane v17, v8;
	v58 =	vadd.s32 v3, v57;
	s1 =	sld [smem:$0x71E]  }
0x2c4: {  	[tilespmem:s6], [sflag:$0x1] =	stream.indirect_vreg.gather [hbm4b:s3+s2], $0x80, v18, vm0, $0xb8;
	[tilespmem:$0x11500] =	vst v63  }
0x2c5: {  	v60 =	vperm.xlane v17, v1;
	s6 =	sld [smem:$0x71F];
	v18 =	vadd.s32 v3, v59  }
0x2c6: {  	[tilespmem:s1], [sflag:$0x1] =	stream.indirect_vreg.gather [hbm4b:s3+s2], $0x80, v19, vm0, $0xb8;
	[tilespmem:$0x11500] =	vst v63  }
0x2c7: {  	v61 =	vperm.xlane v17, v9;
	s1 =	sld [smem:$0x720];
	v19 =	vadd.s32 v3, v60  }
0x2c8: {  	[tilespmem:s6], [sflag:$0x1] =	stream.indirect_vreg.gather [hbm4b:s3+s2], $0x80, v58, vm0, $0xb8;
	[tilespmem:$0x11500] =	vst v63  }
0x2c9: {  	v63 =	vperm.xlane v17, v10;
	v62 =	vadd.s32 v3, v61;
	s6 =	sld [smem:$0x721]  }
0x2ca: {  	[tilespmem:s1], [sflag:$0x1] =	stream.indirect_vreg.gather [hbm4b:s3+s2], $0x80, v18, vm0, $0xb8;
	[tilespmem:$0x11500] =	vst v63  }
0x2cb: {  	v24 =	vperm.xlane v17, v11;
	s1 =	sld [smem:$0x722];
	v18 =	vadd.s32 v3, v63  }
0x2cc: {  	[tilespmem:s6], [sflag:$0x1] =	stream.indirect_vreg.gather [hbm4b:s3+s2], $0x80, v19, vm0, $0xb8;
	[tilespmem:$0x11500] =	vst v63  }
0x2cd: {  	v25 =	vperm.xlane v17, v12;
	s6 =	sld [smem:$0x723];
	v19 =	vadd.s32 v3, v24  }
0x2ce: {  	[tilespmem:s1], [sflag:$0x1] =	stream.indirect_vreg.gather [hbm4b:s3+s2], $0x80, v62, vm0, $0xb8;
	[tilespmem:$0x11500] =	vst v63  }
0x2cf: {  	v27 =	vperm.xlane v17, v13;
	v26 =	vadd.s32 v3, v25;
	s1 =	sld [smem:$0x724]  }
0x2d0: {  	[tilespmem:s6], [sflag:$0x1] =	stream.indirect_vreg.gather [hbm4b:s3+s2], $0x80, v18, vm0, $0xb8;
	[tilespmem:$0x11500] =	vst v63  }
0x2d1: {  	v28 =	vperm.xlane v17, v14;
	s6 =	sld [smem:$0x725];
	v18 =	vadd.s32 v3, v27  }
0x2d2: {  	[tilespmem:s1], [sflag:$0x1] =	stream.indirect_vreg.gather [hbm4b:s3+s2], $0x80, v19, vm0, $0xb8;
	[tilespmem:$0x11500] =	vst v63  }
0x2d3: {  	v29 =	vperm.xlane v17, v15;
	s1 =	sld [smem:$0x726];
	v19 =	vadd.s32 v3, v28  }
0x2d4: {  	[tilespmem:s6], [sflag:$0x1] =	stream.indirect_vreg.gather [hbm4b:s3+s2], $0x80, v26, vm0, $0xb8;
	[tilespmem:$0x11500] =	vst v63  }
0x2d5: {  	v17 =	vperm.xlane v17, v16;
	v30 =	vadd.s32 v3, v29;
	s6 =	sld [smem:$0x727]  }
0x2d6: {  	[tilespmem:s1], [sflag:$0x1] =	stream.indirect_vreg.gather [hbm4b:s3+s2], $0x80, v18, vm0, $0xb8;
	[tilespmem:$0x11500] =	vst v63  }
0x2d7: {  	v17 =	vadd.s32 v3, v17;
	s1 =	sld [smem:$0x728]  }
0x2d8: {  	[tilespmem:s6], [sflag:$0x1] =	stream.indirect_vreg.gather [hbm4b:s3+s2], $0x80, v19, vm0, $0xb8;
	[tilespmem:$0x11500] =	vst v63  }
0x2d9: {  	s6 =	sld [smem:$0x729]  }
0x2da: {  	[tilespmem:s1], [sflag:$0x1] =	stream.indirect_vreg.gather [hbm4b:s3+s2], $0x80, v30, vm0, $0xb8;
	[tilespmem:$0x11500] =	vst v63  }
0x2db: {  	_ = 	snop  }
0x2dc: {  	[tilespmem:s6], [sflag:$0x1] =	stream.indirect_vreg.gather [hbm4b:s3+s2], $0x80, v17, vm0, $0xb8;
	[tilespmem:$0x11500] =	vst v63  }
0x2dd: {  	v17 =	vld [tilespmem:$0x90];
	_ =	sdelay $0x4  }
0x2de: {  	v18 =	vshrl.u32 v17, $0x3  }
0x2df: {  	v18 =	vmul.u32 $0x18, v18  }
0x2e0: {  	v17 =	vand.u32 $0x7, v17  }
0x2e1: {  	v17 =	vor.u32 v17, v18  }
0x2e2: {  	v18 =	vperm.xlane v17, v2;
	_ =	sdelay $0x1  }
0x2e3: {  	v19 =	vperm.xlane v17, v4;
	v18 =	vadd.s32 v3, v18;
	_ =	sdelay $0x1  }
0x2e4: {  	s1 =	sld [smem:$0x72A];
	v31 =	vperm.xlane v17, v5;
	v19 =	vadd.s32 v3, v19;
	_ =	sdelay $0x1  }
0x2e5: {  	s6 =	sld [smem:$0x72B];
	v32 =	vperm.xlane v17, v0;
	v20 =	vadd.s32 v3, v31  }
0x2e6: {  	[tilespmem:s1], [sflag:$0x1] =	stream.indirect_vreg.gather [hbm4b:s3+s2], $0x80, v18, vm0, $0xb8;
	[tilespmem:$0x11500] =	vst v63  }
0x2e7: {  	v33 =	vperm.xlane v17, v6;
	s1 =	sld [smem:$0x72C];
	v18 =	vadd.s32 v3, v32  }
0x2e8: {  	[tilespmem:s6], [sflag:$0x1] =	stream.indirect_vreg.gather [hbm4b:s3+s2], $0x80, v19, vm0, $0xb8;
	[tilespmem:$0x11500] =	vst v63  }
0x2e9: {  	v34 =	vperm.xlane v17, v7;
	s6 =	sld [smem:$0x72D];
	v19 =	vadd.s32 v3, v33  }
0x2ea: {  	[tilespmem:s1], [sflag:$0x1] =	stream.indirect_vreg.gather [hbm4b:s3+s2], $0x80, v20, vm0, $0xb8;
	[tilespmem:$0x11500] =	vst v63  }
0x2eb: {  	v36 =	vperm.xlane v17, v8;
	v35 =	vadd.s32 v3, v34;
	s1 =	sld [smem:$0x72E]  }
0x2ec: {  	[tilespmem:s6], [sflag:$0x1] =	stream.indirect_vreg.gather [hbm4b:s3+s2], $0x80, v18, vm0, $0xb8;
	[tilespmem:$0x11500] =	vst v63  }
0x2ed: {  	v37 =	vperm.xlane v17, v1;
	s6 =	sld [smem:$0x72F];
	v18 =	vadd.s32 v3, v36  }
0x2ee: {  	[tilespmem:s1], [sflag:$0x1] =	stream.indirect_vreg.gather [hbm4b:s3+s2], $0x80, v19, vm0, $0xb8;
	[tilespmem:$0x11500] =	vst v63  }
0x2ef: {  	v38 =	vperm.xlane v17, v9;
	s1 =	sld [smem:$0x730];
	v19 =	vadd.s32 v3, v37  }
0x2f0: {  	[tilespmem:s6], [sflag:$0x1] =	stream.indirect_vreg.gather [hbm4b:s3+s2], $0x80, v35, vm0, $0xb8;
	[tilespmem:$0x11500] =	vst v63  }
0x2f1: {  	v40 =	vperm.xlane v17, v10;
	v39 =	vadd.s32 v3, v38;
	s6 =	sld [smem:$0x731]  }
0x2f2: {  	[tilespmem:s1], [sflag:$0x1] =	stream.indirect_vreg.gather [hbm4b:s3+s2], $0x80, v18, vm0, $0xb8;
	[tilespmem:$0x11500] =	vst v63  }
0x2f3: {  	v41 =	vperm.xlane v17, v11;
	s1 =	sld [smem:$0x732];
	v18 =	vadd.s32 v3, v40  }
0x2f4: {  	[tilespmem:s6], [sflag:$0x1] =	stream.indirect_vreg.gather [hbm4b:s3+s2], $0x80, v19, vm0, $0xb8;
	[tilespmem:$0x11500] =	vst v63  }
0x2f5: {  	v42 =	vperm.xlane v17, v12;
	s6 =	sld [smem:$0x733];
	v19 =	vadd.s32 v3, v41  }
0x2f6: {  	[tilespmem:s1], [sflag:$0x1] =	stream.indirect_vreg.gather [hbm4b:s3+s2], $0x80, v39, vm0, $0xb8;
	[tilespmem:$0x11500] =	vst v63  }
0x2f7: {  	v44 =	vperm.xlane v17, v13;
	v43 =	vadd.s32 v3, v42;
	s1 =	sld [smem:$0x734]  }
0x2f8: {  	[tilespmem:s6], [sflag:$0x1] =	stream.indirect_vreg.gather [hbm4b:s3+s2], $0x80, v18, vm0, $0xb8;
	[tilespmem:$0x11500] =	vst v63  }
0x2f9: {  	v45 =	vperm.xlane v17, v14;
	s6 =	sld [smem:$0x735];
	v18 =	vadd.s32 v3, v44  }
0x2fa: {  	[tilespmem:s1], [sflag:$0x1] =	stream.indirect_vreg.gather [hbm4b:s3+s2], $0x80, v19, vm0, $0xb8;
	[tilespmem:$0x11500] =	vst v63  }
0x2fb: {  	v46 =	vperm.xlane v17, v15;
	s1 =	sld [smem:$0x736];
	v19 =	vadd.s32 v3, v45  }
0x2fc: {  	[tilespmem:s6], [sflag:$0x1] =	stream.indirect_vreg.gather [hbm4b:s3+s2], $0x80, v43, vm0, $0xb8;
	[tilespmem:$0x11500] =	vst v63  }
0x2fd: {  	v17 =	vperm.xlane v17, v16;
	v47 =	vadd.s32 v3, v46;
	s6 =	sld [smem:$0x737]  }
0x2fe: {  	[tilespmem:s1], [sflag:$0x1] =	stream.indirect_vreg.gather [hbm4b:s3+s2], $0x80, v18, vm0, $0xb8;
	[tilespmem:$0x11500] =	vst v63  }
0x2ff: {  	v17 =	vadd.s32 v3, v17;
	s1 =	sld [smem:$0x738]  }
0x300: {  	[tilespmem:s6], [sflag:$0x1] =	stream.indirect_vreg.gather [hbm4b:s3+s2], $0x80, v19, vm0, $0xb8;
	[tilespmem:$0x11500] =	vst v63  }
0x301: {  	s6 =	sld [smem:$0x739]  }
0x302: {  	[tilespmem:s1], [sflag:$0x1] =	stream.indirect_vreg.gather [hbm4b:s3+s2], $0x80, v47, vm0, $0xb8;
	[tilespmem:$0x11500] =	vst v63  }
0x303: {  	_ = 	snop  }
0x304: {  	[tilespmem:s6], [sflag:$0x1] =	stream.indirect_vreg.gather [hbm4b:s3+s2], $0x80, v17, vm0, $0xb8;
	[tilespmem:$0x11500] =	vst v63  }
0x305: {  	v17 =	vld [tilespmem:$0xA0];
	_ =	sdelay $0x4  }
0x306: {  	v18 =	vshrl.u32 v17, $0x3  }
0x307: {  	v18 =	vmul.u32 $0x18, v18  }
0x308: {  	v17 =	vand.u32 $0x7, v17  }
0x309: {  	v17 =	vor.u32 v17, v18  }
0x30a: {  	v18 =	vperm.xlane v17, v2;
	_ =	sdelay $0x1  }
0x30b: {  	v19 =	vperm.xlane v17, v4;
	v18 =	vadd.s32 v3, v18;
	_ =	sdelay $0x1  }
0x30c: {  	s1 =	sld [smem:$0x73A];
	v48 =	vperm.xlane v17, v5;
	v19 =	vadd.s32 v3, v19;
	_ =	sdelay $0x1  }
0x30d: {  	s6 =	sld [smem:$0x73B];
	v49 =	vperm.xlane v17, v0;
	v20 =	vadd.s32 v3, v48  }
0x30e: {  	[tilespmem:s1], [sflag:$0x1] =	stream.indirect_vreg.gather [hbm4b:s3+s2], $0x80, v18, vm0, $0xb8;
	[tilespmem:$0x11500] =	vst v63  }
0x30f: {  	v50 =	vperm.xlane v17, v6;
	s1 =	sld [smem:$0x73C];
	v18 =	vadd.s32 v3, v49  }
0x310: {  	[tilespmem:s6], [sflag:$0x1] =	stream.indirect_vreg.gather [hbm4b:s3+s2], $0x80, v19, vm0, $0xb8;
	[tilespmem:$0x11500] =	vst v63  }
0x311: {  	v51 =	vperm.xlane v17, v7;
	s6 =	sld [smem:$0x73D];
	v19 =	vadd.s32 v3, v50  }
0x312: {  	[tilespmem:s1], [sflag:$0x1] =	stream.indirect_vreg.gather [hbm4b:s3+s2], $0x80, v20, vm0, $0xb8;
	[tilespmem:$0x11500] =	vst v63  }
0x313: {  	v53 =	vperm.xlane v17, v8;
	v52 =	vadd.s32 v3, v51;
	s1 =	sld [smem:$0x73E]  }
0x314: {  	[tilespmem:s6], [sflag:$0x1] =	stream.indirect_vreg.gather [hbm4b:s3+s2], $0x80, v18, vm0, $0xb8;
	[tilespmem:$0x11500] =	vst v63  }
0x315: {  	v54 =	vperm.xlane v17, v1;
	s6 =	sld [smem:$0x73F];
	v18 =	vadd.s32 v3, v53  }
0x316: {  	[tilespmem:s1], [sflag:$0x1] =	stream.indirect_vreg.gather [hbm4b:s3+s2], $0x80, v19, vm0, $0xb8;
	[tilespmem:$0x11500] =	vst v63  }
0x317: {  	v55 =	vperm.xlane v17, v9;
	s1 =	sld [smem:$0x740];
	v19 =	vadd.s32 v3, v54  }
0x318: {  	[tilespmem:s6], [sflag:$0x1] =	stream.indirect_vreg.gather [hbm4b:s3+s2], $0x80, v52, vm0, $0xb8;
	[tilespmem:$0x11500] =	vst v63  }
0x319: {  	v57 =	vperm.xlane v17, v10;
	v56 =	vadd.s32 v3, v55;
	s6 =	sld [smem:$0x741]  }
0x31a: {  	[tilespmem:s1], [sflag:$0x1] =	stream.indirect_vreg.gather [hbm4b:s3+s2], $0x80, v18, vm0, $0xb8;
	[tilespmem:$0x11500] =	vst v63  }
0x31b: {  	v58 =	vperm.xlane v17, v11;
	s1 =	sld [smem:$0x742];
	v18 =	vadd.s32 v3, v57  }
0x31c: {  	[tilespmem:s6], [sflag:$0x1] =	stream.indirect_vreg.gather [hbm4b:s3+s2], $0x80, v19, vm0, $0xb8;
	[tilespmem:$0x11500] =	vst v63  }
0x31d: {  	v59 =	vperm.xlane v17, v12;
	s6 =	sld [smem:$0x743];
	v19 =	vadd.s32 v3, v58  }
0x31e: {  	[tilespmem:s1], [sflag:$0x1] =	stream.indirect_vreg.gather [hbm4b:s3+s2], $0x80, v56, vm0, $0xb8;
	[tilespmem:$0x11500] =	vst v63  }
0x31f: {  	v61 =	vperm.xlane v17, v13;
	v60 =	vadd.s32 v3, v59;
	s1 =	sld [smem:$0x744]  }
0x320: {  	[tilespmem:s6], [sflag:$0x1] =	stream.indirect_vreg.gather [hbm4b:s3+s2], $0x80, v18, vm0, $0xb8;
	[tilespmem:$0x11500] =	vst v63  }
0x321: {  	v62 =	vperm.xlane v17, v14;
	s6 =	sld [smem:$0x745];
	v18 =	vadd.s32 v3, v61  }
0x322: {  	[tilespmem:s1], [sflag:$0x1] =	stream.indirect_vreg.gather [hbm4b:s3+s2], $0x80, v19, vm0, $0xb8;
	[tilespmem:$0x11500] =	vst v63  }
0x323: {  	v63 =	vperm.xlane v17, v15;
	s1 =	sld [smem:$0x746];
	v19 =	vadd.s32 v3, v62  }
0x324: {  	[tilespmem:s6], [sflag:$0x1] =	stream.indirect_vreg.gather [hbm4b:s3+s2], $0x80, v60, vm0, $0xb8;
	[tilespmem:$0x11500] =	vst v63  }
0x325: {  	v17 =	vperm.xlane v17, v16;
	v24 =	vadd.s32 v3, v63;
	s6 =	sld [smem:$0x747]  }
0x326: {  	[tilespmem:s1], [sflag:$0x1] =	stream.indirect_vreg.gather [hbm4b:s3+s2], $0x80, v18, vm0, $0xb8;
	[tilespmem:$0x11500] =	vst v63  }
0x327: {  	v17 =	vadd.s32 v3, v17;
	s1 =	sld [smem:$0x748]  }
0x328: {  	[tilespmem:s6], [sflag:$0x1] =	stream.indirect_vreg.gather [hbm4b:s3+s2], $0x80, v19, vm0, $0xb8;
	[tilespmem:$0x11500] =	vst v63  }
0x329: {  	s6 =	sld [smem:$0x749]  }
0x32a: {  	[tilespmem:s1], [sflag:$0x1] =	stream.indirect_vreg.gather [hbm4b:s3+s2], $0x80, v24, vm0, $0xb8;
	[tilespmem:$0x11500] =	vst v63  }
0x32b: {  	_ = 	snop  }
0x32c: {  	[tilespmem:s6], [sflag:$0x1] =	stream.indirect_vreg.gather [hbm4b:s3+s2], $0x80, v17, vm0, $0xb8;
	[tilespmem:$0x11500] =	vst v63  }
0x32d: {  	v17 =	vld.msk [tilespmem:$0xB0], $0xff;
	_ =	sdelay $0x4  }
0x32e: {  	v18 =	vshrl.u32 v17, $0x3  }
0x32f: {  	v18 =	vmul.u32 $0x18, v18  }
0x330: {  	v17 =	vand.u32 $0x7, v17  }
0x331: {  	v17 =	vor.u32 v17, v18  }
0x332: {  	v18 =	vperm.xlane v17, v2;
	_ =	sdelay $0x1  }
0x333: {  	v19 =	vperm.xlane v17, v4;
	v18 =	vadd.s32 v3, v18;
	_ =	sdelay $0x1  }
0x334: {  	s1 =	sld [smem:$0x74A];
	v25 =	vperm.xlane v17, v5;
	v19 =	vadd.s32 v3, v19;
	_ =	sdelay $0x1  }
0x335: {  	s6 =	sld [smem:$0x74B];
	v26 =	vperm.xlane v17, v0;
	v20 =	vadd.s32 v3, v25  }
0x336: {  	[tilespmem:s1], [sflag:$0x1] =	stream.indirect_vreg.gather [hbm4b:s3+s2], $0x80, v18, vm0, $0xb8;
	[tilespmem:$0x11500] =	vst v63  }
0x337: {  	v27 =	vperm.xlane v17, v6;
	s1 =	sld [smem:$0x74C];
	v18 =	vadd.s32 v3, v26  }
0x338: {  	[tilespmem:s6], [sflag:$0x1] =	stream.indirect_vreg.gather [hbm4b:s3+s2], $0x80, v19, vm0, $0xb8;
	[tilespmem:$0x11500] =	vst v63  }
0x339: {  	v28 =	vperm.xlane v17, v7;
	s6 =	sld [smem:$0x74D];
	v19 =	vadd.s32 v3, v27  }
0x33a: {  	[tilespmem:s1], [sflag:$0x1] =	stream.indirect_vreg.gather [hbm4b:s3+s2], $0x80, v20, vm0, $0xb8;
	[tilespmem:$0x11500] =	vst v63  }
0x33b: {  	v30 =	vperm.xlane v17, v8;
	v29 =	vadd.s32 v3, v28;
	s1 =	sld [smem:$0x74E]  }
0x33c: {  	[tilespmem:s6], [sflag:$0x1] =	stream.indirect_vreg.gather [hbm4b:s3+s2], $0x80, v18, vm0, $0xb8;
	[tilespmem:$0x11500] =	vst v63  }
0x33d: {  	v17 =	vperm.xlane v17, v1;
	s6 =	sld [smem:$0x74F];
	v18 =	vadd.s32 v3, v30  }
0x33e: {  	[tilespmem:s1], [sflag:$0x1] =	stream.indirect_vreg.gather [hbm4b:s3+s2], $0x80, v19, vm0, $0xb8;
	[tilespmem:$0x11500] =	vst v63  }
0x33f: {  	v17 =	vadd.s32 v3, v17;
	s1 =	sld [smem:$0x750]  }
0x340: {  	[tilespmem:s6], [sflag:$0x1] =	stream.indirect_vreg.gather [hbm4b:s3+s2], $0x80, v29, vm0, $0xb8;
	[tilespmem:$0x11500] =	vst v63  }
0x341: {  	s6 =	sld [smem:$0x751]  }
0x342: {  	[tilespmem:s1], [sflag:$0x1] =	stream.indirect_vreg.gather [hbm4b:s3+s2], $0x80, v18, vm0, $0xb8;
	[tilespmem:$0x11500] =	vst v63  }
0x343: {  	_ = 	snop  }
0x344: {  	[tilespmem:s6], [sflag:$0x1] =	stream.indirect_vreg.gather [hbm4b:s3+s2], $0x80, v17, vm0, $0xb8;
	[tilespmem:$0x11500] =	vst v63  }
0x345: {  	v17 =	vld [tilespmem:$0x0];
	_ =	sdelay $0x4  }
0x346: {  	v18 =	vshrl.u32 v17, $0x3  }
0x347: {  	v18 =	vmul.u32 $0x18, v18  }
0x348: {  	v17 =	vand.u32 $0x7, v17  }
0x349: {  	v17 =	vor.u32 v17, v18  }
0x34a: {  	v18 =	vperm.xlane v17, v2;
	_ =	sdelay $0x1  }
0x34b: {  	v19 =	vperm.xlane v17, v4;
	v18 =	vadd.s32 v3, v18;
	_ =	sdelay $0x1  }
0x34c: {  	s1 =	sld [smem:$0x752];
	v31 =	vperm.xlane v17, v5;
	v19 =	vadd.s32 v3, v19;
	_ =	sdelay $0x1  }
0x34d: {  	s6 =	sld [smem:$0x753];
	v32 =	vperm.xlane v17, v0;
	v20 =	vadd.s32 v3, v31  }
0x34e: {  	[tilespmem:s1], [sflag:$0x1] =	stream.indirect_vreg.gather [hbm4b:s5+s2], $0x80, v18, vm0, $0xb8;
	[tilespmem:$0x11500] =	vst v63  }
0x34f: {  	v33 =	vperm.xlane v17, v6;
	s1 =	sld [smem:$0x754];
	v18 =	vadd.s32 v3, v32  }
0x350: {  	[tilespmem:s6], [sflag:$0x1] =	stream.indirect_vreg.gather [hbm4b:s5+s2], $0x80, v19, vm0, $0xb8;
	[tilespmem:$0x11500] =	vst v63  }
0x351: {  	v34 =	vperm.xlane v17, v7;
	s6 =	sld [smem:$0x755];
	v19 =	vadd.s32 v3, v33  }
0x352: {  	[tilespmem:s1], [sflag:$0x1] =	stream.indirect_vreg.gather [hbm4b:s5+s2], $0x80, v20, vm0, $0xb8;
	[tilespmem:$0x11500] =	vst v63  }
0x353: {  	v36 =	vperm.xlane v17, v8;
	v35 =	vadd.s32 v3, v34;
	s1 =	sld [smem:$0x756]  }
0x354: {  	[tilespmem:s6], [sflag:$0x1] =	stream.indirect_vreg.gather [hbm4b:s5+s2], $0x80, v18, vm0, $0xb8;
	[tilespmem:$0x11500] =	vst v63  }
0x355: {  	v37 =	vperm.xlane v17, v1;
	s6 =	sld [smem:$0x757];
	v18 =	vadd.s32 v3, v36  }
0x356: {  	[tilespmem:s1], [sflag:$0x1] =	stream.indirect_vreg.gather [hbm4b:s5+s2], $0x80, v19, vm0, $0xb8;
	[tilespmem:$0x11500] =	vst v63  }
0x357: {  	v38 =	vperm.xlane v17, v9;
	s1 =	sld [smem:$0x758];
	v19 =	vadd.s32 v3, v37  }
0x358: {  	[tilespmem:s6], [sflag:$0x1] =	stream.indirect_vreg.gather [hbm4b:s5+s2], $0x80, v35, vm0, $0xb8;
	[tilespmem:$0x11500] =	vst v63  }
0x359: {  	v40 =	vperm.xlane v17, v10;
	v39 =	vadd.s32 v3, v38;
	s6 =	sld [smem:$0x759]  }
0x35a: {  	[tilespmem:s1], [sflag:$0x1] =	stream.indirect_vreg.gather [hbm4b:s5+s2], $0x80, v18, vm0, $0xb8;
	[tilespmem:$0x11500] =	vst v63  }
0x35b: {  	v41 =	vperm.xlane v17, v11;
	s1 =	sld [smem:$0x75A];
	v18 =	vadd.s32 v3, v40  }
0x35c: {  	[tilespmem:s6], [sflag:$0x1] =	stream.indirect_vreg.gather [hbm4b:s5+s2], $0x80, v19, vm0, $0xb8;
	[tilespmem:$0x11500] =	vst v63  }
0x35d: {  	v42 =	vperm.xlane v17, v12;
	s6 =	sld [smem:$0x75B];
	v19 =	vadd.s32 v3, v41  }
0x35e: {  	[tilespmem:s1], [sflag:$0x1] =	stream.indirect_vreg.gather [hbm4b:s5+s2], $0x80, v39, vm0, $0xb8;
	[tilespmem:$0x11500] =	vst v63  }
0x35f: {  	v44 =	vperm.xlane v17, v13;
	v43 =	vadd.s32 v3, v42;
	s1 =	sld [smem:$0x75C]  }
0x360: {  	[tilespmem:s6], [sflag:$0x1] =	stream.indirect_vreg.gather [hbm4b:s5+s2], $0x80, v18, vm0, $0xb8;
	[tilespmem:$0x11500] =	vst v63  }
0x361: {  	v45 =	vperm.xlane v17, v14;
	s6 =	sld [smem:$0x75D];
	v18 =	vadd.s32 v3, v44  }
0x362: {  	[tilespmem:s1], [sflag:$0x1] =	stream.indirect_vreg.gather [hbm4b:s5+s2], $0x80, v19, vm0, $0xb8;
	[tilespmem:$0x11500] =	vst v63  }
0x363: {  	v46 =	vperm.xlane v17, v15;
	s1 =	sld [smem:$0x75E];
	v19 =	vadd.s32 v3, v45  }
0x364: {  	[tilespmem:s6], [sflag:$0x1] =	stream.indirect_vreg.gather [hbm4b:s5+s2], $0x80, v43, vm0, $0xb8;
	[tilespmem:$0x11500] =	vst v63  }
0x365: {  	v17 =	vperm.xlane v17, v16;
	v47 =	vadd.s32 v3, v46;
	s6 =	sld [smem:$0x75F]  }
0x366: {  	[tilespmem:s1], [sflag:$0x1] =	stream.indirect_vreg.gather [hbm4b:s5+s2], $0x80, v18, vm0, $0xb8;
	[tilespmem:$0x11500] =	vst v63  }
0x367: {  	v17 =	vadd.s32 v3, v17;
	s1 =	sld [smem:$0x760]  }
0x368: {  	[tilespmem:s6], [sflag:$0x1] =	stream.indirect_vreg.gather [hbm4b:s5+s2], $0x80, v19, vm0, $0xb8;
	[tilespmem:$0x11500] =	vst v63  }
0x369: {  	s6 =	sld [smem:$0x761]  }
0x36a: {  	[tilespmem:s1], [sflag:$0x1] =	stream.indirect_vreg.gather [hbm4b:s5+s2], $0x80, v47, vm0, $0xb8;
	[tilespmem:$0x11500] =	vst v63  }
0x36b: {  	_ = 	snop  }
0x36c: {  	[tilespmem:s6], [sflag:$0x1] =	stream.indirect_vreg.gather [hbm4b:s5+s2], $0x80, v17, vm0, $0xb8;
	[tilespmem:$0x11500] =	vst v63  }
0x36d: {  	v17 =	vld [tilespmem:$0x10];
	_ =	sdelay $0x4  }
0x36e: {  	v18 =	vshrl.u32 v17, $0x3  }
0x36f: {  	v18 =	vmul.u32 $0x18, v18  }
0x370: {  	v17 =	vand.u32 $0x7, v17  }
0x371: {  	v17 =	vor.u32 v17, v18  }
0x372: {  	v18 =	vperm.xlane v17, v2;
	_ =	sdelay $0x1  }
0x373: {  	v19 =	vperm.xlane v17, v4;
	v18 =	vadd.s32 v3, v18;
	_ =	sdelay $0x1  }
0x374: {  	s1 =	sld [smem:$0x762];
	v48 =	vperm.xlane v17, v5;
	v19 =	vadd.s32 v3, v19;
	_ =	sdelay $0x1  }
0x375: {  	s6 =	sld [smem:$0x763];
	v49 =	vperm.xlane v17, v0;
	v20 =	vadd.s32 v3, v48  }
0x376: {  	[tilespmem:s1], [sflag:$0x1] =	stream.indirect_vreg.gather [hbm4b:s5+s2], $0x80, v18, vm0, $0xb8;
	[tilespmem:$0x11500] =	vst v63  }
0x377: {  	v50 =	vperm.xlane v17, v6;
	s1 =	sld [smem:$0x764];
	v18 =	vadd.s32 v3, v49  }
0x378: {  	[tilespmem:s6], [sflag:$0x1] =	stream.indirect_vreg.gather [hbm4b:s5+s2], $0x80, v19, vm0, $0xb8;
	[tilespmem:$0x11500] =	vst v63  }
0x379: {  	v51 =	vperm.xlane v17, v7;
	s6 =	sld [smem:$0x765];
	v19 =	vadd.s32 v3, v50  }
0x37a: {  	[tilespmem:s1], [sflag:$0x1] =	stream.indirect_vreg.gather [hbm4b:s5+s2], $0x80, v20, vm0, $0xb8;
	[tilespmem:$0x11500] =	vst v63  }
0x37b: {  	v53 =	vperm.xlane v17, v8;
	v52 =	vadd.s32 v3, v51;
	s1 =	sld [smem:$0x766]  }
0x37c: {  	[tilespmem:s6], [sflag:$0x1] =	stream.indirect_vreg.gather [hbm4b:s5+s2], $0x80, v18, vm0, $0xb8;
	[tilespmem:$0x11500] =	vst v63  }
0x37d: {  	v54 =	vperm.xlane v17, v1;
	s6 =	sld [smem:$0x767];
	v18 =	vadd.s32 v3, v53  }
0x37e: {  	[tilespmem:s1], [sflag:$0x1] =	stream.indirect_vreg.gather [hbm4b:s5+s2], $0x80, v19, vm0, $0xb8;
	[tilespmem:$0x11500] =	vst v63  }
0x37f: {  	v55 =	vperm.xlane v17, v9;
	s1 =	sld [smem:$0x768];
	v19 =	vadd.s32 v3, v54  }
0x380: {  	[tilespmem:s6], [sflag:$0x1] =	stream.indirect_vreg.gather [hbm4b:s5+s2], $0x80, v52, vm0, $0xb8;
	[tilespmem:$0x11500] =	vst v63  }
0x381: {  	v57 =	vperm.xlane v17, v10;
	v56 =	vadd.s32 v3, v55;
	s6 =	sld [smem:$0x769]  }
0x382: {  	[tilespmem:s1], [sflag:$0x1] =	stream.indirect_vreg.gather [hbm4b:s5+s2], $0x80, v18, vm0, $0xb8;
	[tilespmem:$0x11500] =	vst v63  }
0x383: {  	v58 =	vperm.xlane v17, v11;
	s1 =	sld [smem:$0x76A];
	v18 =	vadd.s32 v3, v57  }
0x384: {  	[tilespmem:s6], [sflag:$0x1] =	stream.indirect_vreg.gather [hbm4b:s5+s2], $0x80, v19, vm0, $0xb8;
	[tilespmem:$0x11500] =	vst v63  }
0x385: {  	v59 =	vperm.xlane v17, v12;
	s6 =	sld [smem:$0x76B];
	v19 =	vadd.s32 v3, v58  }
0x386: {  	[tilespmem:s1], [sflag:$0x1] =	stream.indirect_vreg.gather [hbm4b:s5+s2], $0x80, v56, vm0, $0xb8;
	[tilespmem:$0x11500] =	vst v63  }
0x387: {  	v61 =	vperm.xlane v17, v13;
	v60 =	vadd.s32 v3, v59;
	s1 =	sld [smem:$0x76C]  }
0x388: {  	[tilespmem:s6], [sflag:$0x1] =	stream.indirect_vreg.gather [hbm4b:s5+s2], $0x80, v18, vm0, $0xb8;
	[tilespmem:$0x11500] =	vst v63  }
0x389: {  	v62 =	vperm.xlane v17, v14;
	s6 =	sld [smem:$0x76D];
	v18 =	vadd.s32 v3, v61  }
0x38a: {  	[tilespmem:s1], [sflag:$0x1] =	stream.indirect_vreg.gather [hbm4b:s5+s2], $0x80, v19, vm0, $0xb8;
	[tilespmem:$0x11500] =	vst v63  }
0x38b: {  	v63 =	vperm.xlane v17, v15;
	s1 =	sld [smem:$0x76E];
	v19 =	vadd.s32 v3, v62  }
0x38c: {  	[tilespmem:s6], [sflag:$0x1] =	stream.indirect_vreg.gather [hbm4b:s5+s2], $0x80, v60, vm0, $0xb8;
	[tilespmem:$0x11500] =	vst v63  }
0x38d: {  	v17 =	vperm.xlane v17, v16;
	v24 =	vadd.s32 v3, v63;
	s6 =	sld [smem:$0x76F]  }
0x38e: {  	[tilespmem:s1], [sflag:$0x1] =	stream.indirect_vreg.gather [hbm4b:s5+s2], $0x80, v18, vm0, $0xb8;
	[tilespmem:$0x11500] =	vst v63  }
0x38f: {  	v17 =	vadd.s32 v3, v17;
	s1 =	sld [smem:$0x770]  }
0x390: {  	[tilespmem:s6], [sflag:$0x1] =	stream.indirect_vreg.gather [hbm4b:s5+s2], $0x80, v19, vm0, $0xb8;
	[tilespmem:$0x11500] =	vst v63  }
0x391: {  	s6 =	sld [smem:$0x771]  }
0x392: {  	[tilespmem:s1], [sflag:$0x1] =	stream.indirect_vreg.gather [hbm4b:s5+s2], $0x80, v24, vm0, $0xb8;
	[tilespmem:$0x11500] =	vst v63  }
0x393: {  	_ = 	snop  }
0x394: {  	[tilespmem:s6], [sflag:$0x1] =	stream.indirect_vreg.gather [hbm4b:s5+s2], $0x80, v17, vm0, $0xb8;
	[tilespmem:$0x11500] =	vst v63  }
0x395: {  	v17 =	vld [tilespmem:$0x20];
	_ =	sdelay $0x4  }
0x396: {  	v18 =	vshrl.u32 v17, $0x3  }
0x397: {  	v18 =	vmul.u32 $0x18, v18  }
0x398: {  	v17 =	vand.u32 $0x7, v17  }
0x399: {  	v17 =	vor.u32 v17, v18  }
0x39a: {  	v18 =	vperm.xlane v17, v2;
	_ =	sdelay $0x1  }
0x39b: {  	v19 =	vperm.xlane v17, v4;
	v18 =	vadd.s32 v3, v18;
	_ =	sdelay $0x1  }
0x39c: {  	s1 =	sld [smem:$0x772];
	v25 =	vperm.xlane v17, v5;
	v19 =	vadd.s32 v3, v19;
	_ =	sdelay $0x1  }
0x39d: {  	s6 =	sld [smem:$0x773];
	v26 =	vperm.xlane v17, v0;
	v20 =	vadd.s32 v3, v25  }
0x39e: {  	[tilespmem:s1], [sflag:$0x1] =	stream.indirect_vreg.gather [hbm4b:s5+s2], $0x80, v18, vm0, $0xb8;
	[tilespmem:$0x11500] =	vst v63  }
0x39f: {  	v27 =	vperm.xlane v17, v6;
	s1 =	sld [smem:$0x774];
	v18 =	vadd.s32 v3, v26  }
0x3a0: {  	[tilespmem:s6], [sflag:$0x1] =	stream.indirect_vreg.gather [hbm4b:s5+s2], $0x80, v19, vm0, $0xb8;
	[tilespmem:$0x11500] =	vst v63  }
0x3a1: {  	v28 =	vperm.xlane v17, v7;
	s6 =	sld [smem:$0x775];
	v19 =	vadd.s32 v3, v27  }
0x3a2: {  	[tilespmem:s1], [sflag:$0x1] =	stream.indirect_vreg.gather [hbm4b:s5+s2], $0x80, v20, vm0, $0xb8;
	[tilespmem:$0x11500] =	vst v63  }
0x3a3: {  	v30 =	vperm.xlane v17, v8;
	v29 =	vadd.s32 v3, v28;
	s1 =	sld [smem:$0x776]  }
0x3a4: {  	[tilespmem:s6], [sflag:$0x1] =	stream.indirect_vreg.gather [hbm4b:s5+s2], $0x80, v18, vm0, $0xb8;
	[tilespmem:$0x11500] =	vst v63  }
0x3a5: {  	v31 =	vperm.xlane v17, v1;
	s6 =	sld [smem:$0x777];
	v18 =	vadd.s32 v3, v30  }
0x3a6: {  	[tilespmem:s1], [sflag:$0x1] =	stream.indirect_vreg.gather [hbm4b:s5+s2], $0x80, v19, vm0, $0xb8;
	[tilespmem:$0x11500] =	vst v63  }
0x3a7: {  	v32 =	vperm.xlane v17, v9;
	s1 =	sld [smem:$0x778];
	v19 =	vadd.s32 v3, v31  }
0x3a8: {  	[tilespmem:s6], [sflag:$0x1] =	stream.indirect_vreg.gather [hbm4b:s5+s2], $0x80, v29, vm0, $0xb8;
	[tilespmem:$0x11500] =	vst v63  }
0x3a9: {  	v34 =	vperm.xlane v17, v10;
	v33 =	vadd.s32 v3, v32;
	s6 =	sld [smem:$0x779]  }
0x3aa: {  	[tilespmem:s1], [sflag:$0x1] =	stream.indirect_vreg.gather [hbm4b:s5+s2], $0x80, v18, vm0, $0xb8;
	[tilespmem:$0x11500] =	vst v63  }
0x3ab: {  	v35 =	vperm.xlane v17, v11;
	s1 =	sld [smem:$0x77A];
	v18 =	vadd.s32 v3, v34  }
0x3ac: {  	[tilespmem:s6], [sflag:$0x1] =	stream.indirect_vreg.gather [hbm4b:s5+s2], $0x80, v19, vm0, $0xb8;
	[tilespmem:$0x11500] =	vst v63  }
0x3ad: {  	v36 =	vperm.xlane v17, v12;
	s6 =	sld [smem:$0x77B];
	v19 =	vadd.s32 v3, v35  }
0x3ae: {  	[tilespmem:s1], [sflag:$0x1] =	stream.indirect_vreg.gather [hbm4b:s5+s2], $0x80, v33, vm0, $0xb8;
	[tilespmem:$0x11500] =	vst v63  }
0x3af: {  	v38 =	vperm.xlane v17, v13;
	v37 =	vadd.s32 v3, v36;
	s1 =	sld [smem:$0x77C]  }
0x3b0: {  	[tilespmem:s6], [sflag:$0x1] =	stream.indirect_vreg.gather [hbm4b:s5+s2], $0x80, v18, vm0, $0xb8;
	[tilespmem:$0x11500] =	vst v63  }
0x3b1: {  	v39 =	vperm.xlane v17, v14;
	s6 =	sld [smem:$0x77D];
	v18 =	vadd.s32 v3, v38  }
0x3b2: {  	[tilespmem:s1], [sflag:$0x1] =	stream.indirect_vreg.gather [hbm4b:s5+s2], $0x80, v19, vm0, $0xb8;
	[tilespmem:$0x11500] =	vst v63  }
0x3b3: {  	v40 =	vperm.xlane v17, v15;
	s1 =	sld [smem:$0x77E];
	v19 =	vadd.s32 v3, v39  }
0x3b4: {  	[tilespmem:s6], [sflag:$0x1] =	stream.indirect_vreg.gather [hbm4b:s5+s2], $0x80, v37, vm0, $0xb8;
	[tilespmem:$0x11500] =	vst v63  }
0x3b5: {  	v17 =	vperm.xlane v17, v16;
	v41 =	vadd.s32 v3, v40;
	s6 =	sld [smem:$0x77F]  }
0x3b6: {  	[tilespmem:s1], [sflag:$0x1] =	stream.indirect_vreg.gather [hbm4b:s5+s2], $0x80, v18, vm0, $0xb8;
	[tilespmem:$0x11500] =	vst v63  }
0x3b7: {  	v17 =	vadd.s32 v3, v17;
	s1 =	sld [smem:$0x780]  }
0x3b8: {  	[tilespmem:s6], [sflag:$0x1] =	stream.indirect_vreg.gather [hbm4b:s5+s2], $0x80, v19, vm0, $0xb8;
	[tilespmem:$0x11500] =	vst v63  }
0x3b9: {  	s6 =	sld [smem:$0x781]  }
0x3ba: {  	[tilespmem:s1], [sflag:$0x1] =	stream.indirect_vreg.gather [hbm4b:s5+s2], $0x80, v41, vm0, $0xb8;
	[tilespmem:$0x11500] =	vst v63  }
0x3bb: {  	_ = 	snop  }
0x3bc: {  	[tilespmem:s6], [sflag:$0x1] =	stream.indirect_vreg.gather [hbm4b:s5+s2], $0x80, v17, vm0, $0xb8;
	[tilespmem:$0x11500] =	vst v63  }
0x3bd: {  	v17 =	vld [tilespmem:$0x30];
	_ =	sdelay $0x4  }
0x3be: {  	v18 =	vshrl.u32 v17, $0x3  }
0x3bf: {  	v18 =	vmul.u32 $0x18, v18  }
0x3c0: {  	v17 =	vand.u32 $0x7, v17  }
0x3c1: {  	v17 =	vor.u32 v17, v18  }
0x3c2: {  	v18 =	vperm.xlane v17, v2;
	_ =	sdelay $0x1  }
0x3c3: {  	v19 =	vperm.xlane v17, v4;
	v18 =	vadd.s32 v3, v18;
	_ =	sdelay $0x1  }
0x3c4: {  	s1 =	sld [smem:$0x782];
	v42 =	vperm.xlane v17, v5;
	v19 =	vadd.s32 v3, v19;
	_ =	sdelay $0x1  }
0x3c5: {  	s6 =	sld [smem:$0x783];
	v43 =	vperm.xlane v17, v0;
	v20 =	vadd.s32 v3, v42  }
0x3c6: {  	[tilespmem:s1], [sflag:$0x1] =	stream.indirect_vreg.gather [hbm4b:s5+s2], $0x80, v18, vm0, $0xb8;
	[tilespmem:$0x11500] =	vst v63  }
0x3c7: {  	v44 =	vperm.xlane v17, v6;
	s1 =	sld [smem:$0x784];
	v18 =	vadd.s32 v3, v43  }
0x3c8: {  	[tilespmem:s6], [sflag:$0x1] =	stream.indirect_vreg.gather [hbm4b:s5+s2], $0x80, v19, vm0, $0xb8;
	[tilespmem:$0x11500] =	vst v63  }
0x3c9: {  	v45 =	vperm.xlane v17, v7;
	s6 =	sld [smem:$0x785];
	v19 =	vadd.s32 v3, v44  }
0x3ca: {  	[tilespmem:s1], [sflag:$0x1] =	stream.indirect_vreg.gather [hbm4b:s5+s2], $0x80, v20, vm0, $0xb8;
	[tilespmem:$0x11500] =	vst v63  }
0x3cb: {  	v47 =	vperm.xlane v17, v8;
	v46 =	vadd.s32 v3, v45;
	s1 =	sld [smem:$0x786]  }
0x3cc: {  	[tilespmem:s6], [sflag:$0x1] =	stream.indirect_vreg.gather [hbm4b:s5+s2], $0x80, v18, vm0, $0xb8;
	[tilespmem:$0x11500] =	vst v63  }
0x3cd: {  	v48 =	vperm.xlane v17, v1;
	s6 =	sld [smem:$0x787];
	v18 =	vadd.s32 v3, v47  }
0x3ce: {  	[tilespmem:s1], [sflag:$0x1] =	stream.indirect_vreg.gather [hbm4b:s5+s2], $0x80, v19, vm0, $0xb8;
	[tilespmem:$0x11500] =	vst v63  }
0x3cf: {  	v49 =	vperm.xlane v17, v9;
	s1 =	sld [smem:$0x788];
	v19 =	vadd.s32 v3, v48  }
0x3d0: {  	[tilespmem:s6], [sflag:$0x1] =	stream.indirect_vreg.gather [hbm4b:s5+s2], $0x80, v46, vm0, $0xb8;
	[tilespmem:$0x11500] =	vst v63  }
0x3d1: {  	v51 =	vperm.xlane v17, v10;
	v50 =	vadd.s32 v3, v49;
	s6 =	sld [smem:$0x789]  }
0x3d2: {  	[tilespmem:s1], [sflag:$0x1] =	stream.indirect_vreg.gather [hbm4b:s5+s2], $0x80, v18, vm0, $0xb8;
	[tilespmem:$0x11500] =	vst v63  }
0x3d3: {  	v52 =	vperm.xlane v17, v11;
	s1 =	sld [smem:$0x78A];
	v18 =	vadd.s32 v3, v51  }
0x3d4: {  	[tilespmem:s6], [sflag:$0x1] =	stream.indirect_vreg.gather [hbm4b:s5+s2], $0x80, v19, vm0, $0xb8;
	[tilespmem:$0x11500] =	vst v63  }
0x3d5: {  	v53 =	vperm.xlane v17, v12;
	s6 =	sld [smem:$0x78B];
	v19 =	vadd.s32 v3, v52  }
0x3d6: {  	[tilespmem:s1], [sflag:$0x1] =	stream.indirect_vreg.gather [hbm4b:s5+s2], $0x80, v50, vm0, $0xb8;
	[tilespmem:$0x11500] =	vst v63  }
0x3d7: {  	v55 =	vperm.xlane v17, v13;
	v54 =	vadd.s32 v3, v53;
	s1 =	sld [smem:$0x78C]  }
0x3d8: {  	[tilespmem:s6], [sflag:$0x1] =	stream.indirect_vreg.gather [hbm4b:s5+s2], $0x80, v18, vm0, $0xb8;
	[tilespmem:$0x11500] =	vst v63  }
0x3d9: {  	v56 =	vperm.xlane v17, v14;
	s6 =	sld [smem:$0x78D];
	v18 =	vadd.s32 v3, v55  }
0x3da: {  	[tilespmem:s1], [sflag:$0x1] =	stream.indirect_vreg.gather [hbm4b:s5+s2], $0x80, v19, vm0, $0xb8;
	[tilespmem:$0x11500] =	vst v63  }
0x3db: {  	v57 =	vperm.xlane v17, v15;
	s1 =	sld [smem:$0x78E];
	v19 =	vadd.s32 v3, v56  }
0x3dc: {  	[tilespmem:s6], [sflag:$0x1] =	stream.indirect_vreg.gather [hbm4b:s5+s2], $0x80, v54, vm0, $0xb8;
	[tilespmem:$0x11500] =	vst v63  }
0x3dd: {  	v17 =	vperm.xlane v17, v16;
	v58 =	vadd.s32 v3, v57;
	s6 =	sld [smem:$0x78F]  }
0x3de: {  	[tilespmem:s1], [sflag:$0x1] =	stream.indirect_vreg.gather [hbm4b:s5+s2], $0x80, v18, vm0, $0xb8;
	[tilespmem:$0x11500] =	vst v63  }
0x3df: {  	v17 =	vadd.s32 v3, v17;
	s1 =	sld [smem:$0x790]  }
0x3e0: {  	[tilespmem:s6], [sflag:$0x1] =	stream.indirect_vreg.gather [hbm4b:s5+s2], $0x80, v19, vm0, $0xb8;
	[tilespmem:$0x11500] =	vst v63  }
0x3e1: {  	s6 =	sld [smem:$0x791]  }
0x3e2: {  	[tilespmem:s1], [sflag:$0x1] =	stream.indirect_vreg.gather [hbm4b:s5+s2], $0x80, v58, vm0, $0xb8;
	[tilespmem:$0x11500] =	vst v63  }
0x3e3: {  	_ = 	snop  }
0x3e4: {  	[tilespmem:s6], [sflag:$0x1] =	stream.indirect_vreg.gather [hbm4b:s5+s2], $0x80, v17, vm0, $0xb8;
	[tilespmem:$0x11500] =	vst v63  }
0x3e5: {  	v17 =	vld [tilespmem:$0x40];
	_ =	sdelay $0x4  }
0x3e6: {  	v18 =	vshrl.u32 v17, $0x3  }
0x3e7: {  	v18 =	vmul.u32 $0x18, v18  }
0x3e8: {  	v17 =	vand.u32 $0x7, v17  }
0x3e9: {  	v17 =	vor.u32 v17, v18  }
0x3ea: {  	v18 =	vperm.xlane v17, v2;
	_ =	sdelay $0x1  }
0x3eb: {  	v19 =	vperm.xlane v17, v4;
	v18 =	vadd.s32 v3, v18;
	_ =	sdelay $0x1  }
0x3ec: {  	s1 =	sld [smem:$0x792];
	v59 =	vperm.xlane v17, v5;
	v19 =	vadd.s32 v3, v19;
	_ =	sdelay $0x1  }
0x3ed: {  	s6 =	sld [smem:$0x793];
	v60 =	vperm.xlane v17, v0;
	v20 =	vadd.s32 v3, v59  }
0x3ee: {  	[tilespmem:s1], [sflag:$0x1] =	stream.indirect_vreg.gather [hbm4b:s5+s2], $0x80, v18, vm0, $0xb8;
	[tilespmem:$0x11500] =	vst v63  }
0x3ef: {  	v61 =	vperm.xlane v17, v6;
	s1 =	sld [smem:$0x794];
	v18 =	vadd.s32 v3, v60  }
0x3f0: {  	[tilespmem:s6], [sflag:$0x1] =	stream.indirect_vreg.gather [hbm4b:s5+s2], $0x80, v19, vm0, $0xb8;
	[tilespmem:$0x11500] =	vst v63  }
0x3f1: {  	v62 =	vperm.xlane v17, v7;
	s6 =	sld [smem:$0x795];
	v19 =	vadd.s32 v3, v61  }
0x3f2: {  	[tilespmem:s1], [sflag:$0x1] =	stream.indirect_vreg.gather [hbm4b:s5+s2], $0x80, v20, vm0, $0xb8;
	[tilespmem:$0x11500] =	vst v63  }
0x3f3: {  	v24 =	vperm.xlane v17, v8;
	v63 =	vadd.s32 v3, v62;
	s1 =	sld [smem:$0x796]  }
0x3f4: {  	[tilespmem:s6], [sflag:$0x1] =	stream.indirect_vreg.gather [hbm4b:s5+s2], $0x80, v18, vm0, $0xb8;
	[tilespmem:$0x11500] =	vst v63  }
0x3f5: {  	v25 =	vperm.xlane v17, v1;
	s6 =	sld [smem:$0x797];
	v18 =	vadd.s32 v3, v24  }
0x3f6: {  	[tilespmem:s1], [sflag:$0x1] =	stream.indirect_vreg.gather [hbm4b:s5+s2], $0x80, v19, vm0, $0xb8;
	[tilespmem:$0x11500] =	vst v63  }
0x3f7: {  	v26 =	vperm.xlane v17, v9;
	s1 =	sld [smem:$0x798];
	v19 =	vadd.s32 v3, v25  }
0x3f8: {  	[tilespmem:s6], [sflag:$0x1] =	stream.indirect_vreg.gather [hbm4b:s5+s2], $0x80, v63, vm0, $0xb8;
	[tilespmem:$0x11500] =	vst v63  }
0x3f9: {  	v28 =	vperm.xlane v17, v10;
	v27 =	vadd.s32 v3, v26;
	s6 =	sld [smem:$0x799]  }
0x3fa: {  	[tilespmem:s1], [sflag:$0x1] =	stream.indirect_vreg.gather [hbm4b:s5+s2], $0x80, v18, vm0, $0xb8;
	[tilespmem:$0x11500] =	vst v63  }
0x3fb: {  	v29 =	vperm.xlane v17, v11;
	s1 =	sld [smem:$0x79A];
	v18 =	vadd.s32 v3, v28  }
0x3fc: {  	[tilespmem:s6], [sflag:$0x1] =	stream.indirect_vreg.gather [hbm4b:s5+s2], $0x80, v19, vm0, $0xb8;
	[tilespmem:$0x11500] =	vst v63  }
0x3fd: {  	v30 =	vperm.xlane v17, v12;
	s6 =	sld [smem:$0x79B];
	v19 =	vadd.s32 v3, v29  }
0x3fe: {  	[tilespmem:s1], [sflag:$0x1] =	stream.indirect_vreg.gather [hbm4b:s5+s2], $0x80, v27, vm0, $0xb8;
	[tilespmem:$0x11500] =	vst v63  }
0x3ff: {  	v32 =	vperm.xlane v17, v13;
	v31 =	vadd.s32 v3, v30;
	s1 =	sld [smem:$0x79C]  }
0x400: {  	[tilespmem:s6], [sflag:$0x1] =	stream.indirect_vreg.gather [hbm4b:s5+s2], $0x80, v18, vm0, $0xb8;
	[tilespmem:$0x11500] =	vst v63  }
0x401: {  	v33 =	vperm.xlane v17, v14;
	s6 =	sld [smem:$0x79D];
	v18 =	vadd.s32 v3, v32  }
0x402: {  	[tilespmem:s1], [sflag:$0x1] =	stream.indirect_vreg.gather [hbm4b:s5+s2], $0x80, v19, vm0, $0xb8;
	[tilespmem:$0x11500] =	vst v63  }
0x403: {  	v34 =	vperm.xlane v17, v15;
	s1 =	sld [smem:$0x79E];
	v19 =	vadd.s32 v3, v33  }
0x404: {  	[tilespmem:s6], [sflag:$0x1] =	stream.indirect_vreg.gather [hbm4b:s5+s2], $0x80, v31, vm0, $0xb8;
	[tilespmem:$0x11500] =	vst v63  }
0x405: {  	v17 =	vperm.xlane v17, v16;
	v35 =	vadd.s32 v3, v34;
	s6 =	sld [smem:$0x79F]  }
0x406: {  	[tilespmem:s1], [sflag:$0x1] =	stream.indirect_vreg.gather [hbm4b:s5+s2], $0x80, v18, vm0, $0xb8;
	[tilespmem:$0x11500] =	vst v63  }
0x407: {  	v17 =	vadd.s32 v3, v17;
	s1 =	sld [smem:$0x7A0]  }
0x408: {  	[tilespmem:s6], [sflag:$0x1] =	stream.indirect_vreg.gather [hbm4b:s5+s2], $0x80, v19, vm0, $0xb8;
	[tilespmem:$0x11500] =	vst v63  }
0x409: {  	s6 =	sld [smem:$0x7A1]  }
0x40a: {  	[tilespmem:s1], [sflag:$0x1] =	stream.indirect_vreg.gather [hbm4b:s5+s2], $0x80, v35, vm0, $0xb8;
	[tilespmem:$0x11500] =	vst v63  }
0x40b: {  	_ = 	snop  }
0x40c: {  	[tilespmem:s6], [sflag:$0x1] =	stream.indirect_vreg.gather [hbm4b:s5+s2], $0x80, v17, vm0, $0xb8;
	[tilespmem:$0x11500] =	vst v63  }
0x40d: {  	v17 =	vld [tilespmem:$0x50];
	_ =	sdelay $0x4  }
0x40e: {  	v18 =	vshrl.u32 v17, $0x3  }
0x40f: {  	v18 =	vmul.u32 $0x18, v18  }
0x410: {  	v17 =	vand.u32 $0x7, v17  }
0x411: {  	v17 =	vor.u32 v17, v18  }
0x412: {  	v18 =	vperm.xlane v17, v2;
	_ =	sdelay $0x1  }
0x413: {  	v19 =	vperm.xlane v17, v4;
	v18 =	vadd.s32 v3, v18;
	_ =	sdelay $0x1  }
0x414: {  	s1 =	sld [smem:$0x7A2];
	v36 =	vperm.xlane v17, v5;
	v19 =	vadd.s32 v3, v19;
	_ =	sdelay $0x1  }
0x415: {  	s6 =	sld [smem:$0x7A3];
	v37 =	vperm.xlane v17, v0;
	v20 =	vadd.s32 v3, v36  }
0x416: {  	[tilespmem:s1], [sflag:$0x1] =	stream.indirect_vreg.gather [hbm4b:s5+s2], $0x80, v18, vm0, $0xb8;
	[tilespmem:$0x11500] =	vst v63  }
0x417: {  	v38 =	vperm.xlane v17, v6;
	s1 =	sld [smem:$0x7A4];
	v18 =	vadd.s32 v3, v37  }
0x418: {  	[tilespmem:s6], [sflag:$0x1] =	stream.indirect_vreg.gather [hbm4b:s5+s2], $0x80, v19, vm0, $0xb8;
	[tilespmem:$0x11500] =	vst v63  }
0x419: {  	v39 =	vperm.xlane v17, v7;
	s6 =	sld [smem:$0x7A5];
	v19 =	vadd.s32 v3, v38  }
0x41a: {  	[tilespmem:s1], [sflag:$0x1] =	stream.indirect_vreg.gather [hbm4b:s5+s2], $0x80, v20, vm0, $0xb8;
	[tilespmem:$0x11500] =	vst v63  }
0x41b: {  	v41 =	vperm.xlane v17, v8;
	v40 =	vadd.s32 v3, v39;
	s1 =	sld [smem:$0x7A6]  }
0x41c: {  	[tilespmem:s6], [sflag:$0x1] =	stream.indirect_vreg.gather [hbm4b:s5+s2], $0x80, v18, vm0, $0xb8;
	[tilespmem:$0x11500] =	vst v63  }
0x41d: {  	v42 =	vperm.xlane v17, v1;
	s6 =	sld [smem:$0x7A7];
	v18 =	vadd.s32 v3, v41  }
0x41e: {  	[tilespmem:s1], [sflag:$0x1] =	stream.indirect_vreg.gather [hbm4b:s5+s2], $0x80, v19, vm0, $0xb8;
	[tilespmem:$0x11500] =	vst v63  }
0x41f: {  	v43 =	vperm.xlane v17, v9;
	s1 =	sld [smem:$0x7A8];
	v19 =	vadd.s32 v3, v42  }
0x420: {  	[tilespmem:s6], [sflag:$0x1] =	stream.indirect_vreg.gather [hbm4b:s5+s2], $0x80, v40, vm0, $0xb8;
	[tilespmem:$0x11500] =	vst v63  }
0x421: {  	v45 =	vperm.xlane v17, v10;
	v44 =	vadd.s32 v3, v43;
	s6 =	sld [smem:$0x7A9]  }
0x422: {  	[tilespmem:s1], [sflag:$0x1] =	stream.indirect_vreg.gather [hbm4b:s5+s2], $0x80, v18, vm0, $0xb8;
	[tilespmem:$0x11500] =	vst v63  }
0x423: {  	v46 =	vperm.xlane v17, v11;
	s1 =	sld [smem:$0x7AA];
	v18 =	vadd.s32 v3, v45  }
0x424: {  	[tilespmem:s6], [sflag:$0x1] =	stream.indirect_vreg.gather [hbm4b:s5+s2], $0x80, v19, vm0, $0xb8;
	[tilespmem:$0x11500] =	vst v63  }
0x425: {  	v47 =	vperm.xlane v17, v12;
	s6 =	sld [smem:$0x7AB];
	v19 =	vadd.s32 v3, v46  }
0x426: {  	[tilespmem:s1], [sflag:$0x1] =	stream.indirect_vreg.gather [hbm4b:s5+s2], $0x80, v44, vm0, $0xb8;
	[tilespmem:$0x11500] =	vst v63  }
0x427: {  	v49 =	vperm.xlane v17, v13;
	v48 =	vadd.s32 v3, v47;
	s1 =	sld [smem:$0x7AC]  }
0x428: {  	[tilespmem:s6], [sflag:$0x1] =	stream.indirect_vreg.gather [hbm4b:s5+s2], $0x80, v18, vm0, $0xb8;
	[tilespmem:$0x11500] =	vst v63  }
0x429: {  	v50 =	vperm.xlane v17, v14;
	s6 =	sld [smem:$0x7AD];
	v18 =	vadd.s32 v3, v49  }
0x42a: {  	[tilespmem:s1], [sflag:$0x1] =	stream.indirect_vreg.gather [hbm4b:s5+s2], $0x80, v19, vm0, $0xb8;
	[tilespmem:$0x11500] =	vst v63  }
0x42b: {  	v51 =	vperm.xlane v17, v15;
	s1 =	sld [smem:$0x7AE];
	v19 =	vadd.s32 v3, v50  }
0x42c: {  	[tilespmem:s6], [sflag:$0x1] =	stream.indirect_vreg.gather [hbm4b:s5+s2], $0x80, v48, vm0, $0xb8;
	[tilespmem:$0x11500] =	vst v63  }
0x42d: {  	v17 =	vperm.xlane v17, v16;
	v52 =	vadd.s32 v3, v51;
	s6 =	sld [smem:$0x7AF]  }
0x42e: {  	[tilespmem:s1], [sflag:$0x1] =	stream.indirect_vreg.gather [hbm4b:s5+s2], $0x80, v18, vm0, $0xb8;
	[tilespmem:$0x11500] =	vst v63  }
0x42f: {  	v17 =	vadd.s32 v3, v17;
	s1 =	sld [smem:$0x7B0]  }
0x430: {  	[tilespmem:s6], [sflag:$0x1] =	stream.indirect_vreg.gather [hbm4b:s5+s2], $0x80, v19, vm0, $0xb8;
	[tilespmem:$0x11500] =	vst v63  }
0x431: {  	s6 =	sld [smem:$0x7B1]  }
0x432: {  	[tilespmem:s1], [sflag:$0x1] =	stream.indirect_vreg.gather [hbm4b:s5+s2], $0x80, v52, vm0, $0xb8;
	[tilespmem:$0x11500] =	vst v63  }
0x433: {  	_ = 	snop  }
0x434: {  	[tilespmem:s6], [sflag:$0x1] =	stream.indirect_vreg.gather [hbm4b:s5+s2], $0x80, v17, vm0, $0xb8;
	[tilespmem:$0x11500] =	vst v63  }
0x435: {  	v17 =	vld [tilespmem:$0x60];
	_ =	sdelay $0x4  }
0x436: {  	v18 =	vshrl.u32 v17, $0x3  }
0x437: {  	v18 =	vmul.u32 $0x18, v18  }
0x438: {  	v17 =	vand.u32 $0x7, v17  }
0x439: {  	v17 =	vor.u32 v17, v18  }
0x43a: {  	v18 =	vperm.xlane v17, v2;
	_ =	sdelay $0x1  }
0x43b: {  	v19 =	vperm.xlane v17, v4;
	v18 =	vadd.s32 v3, v18;
	_ =	sdelay $0x1  }
0x43c: {  	s1 =	sld [smem:$0x7B2];
	v53 =	vperm.xlane v17, v5;
	v19 =	vadd.s32 v3, v19;
	_ =	sdelay $0x1  }
0x43d: {  	s6 =	sld [smem:$0x7B3];
	v54 =	vperm.xlane v17, v0;
	v20 =	vadd.s32 v3, v53  }
0x43e: {  	[tilespmem:s1], [sflag:$0x1] =	stream.indirect_vreg.gather [hbm4b:s5+s2], $0x80, v18, vm0, $0xb8;
	[tilespmem:$0x11500] =	vst v63  }
0x43f: {  	v55 =	vperm.xlane v17, v6;
	s1 =	sld [smem:$0x7B4];
	v18 =	vadd.s32 v3, v54  }
0x440: {  	[tilespmem:s6], [sflag:$0x1] =	stream.indirect_vreg.gather [hbm4b:s5+s2], $0x80, v19, vm0, $0xb8;
	[tilespmem:$0x11500] =	vst v63  }
0x441: {  	v56 =	vperm.xlane v17, v7;
	s6 =	sld [smem:$0x7B5];
	v19 =	vadd.s32 v3, v55  }
0x442: {  	[tilespmem:s1], [sflag:$0x1] =	stream.indirect_vreg.gather [hbm4b:s5+s2], $0x80, v20, vm0, $0xb8;
	[tilespmem:$0x11500] =	vst v63  }
0x443: {  	v58 =	vperm.xlane v17, v8;
	v57 =	vadd.s32 v3, v56;
	s1 =	sld [smem:$0x7B6]  }
0x444: {  	[tilespmem:s6], [sflag:$0x1] =	stream.indirect_vreg.gather [hbm4b:s5+s2], $0x80, v18, vm0, $0xb8;
	[tilespmem:$0x11500] =	vst v63  }
0x445: {  	v59 =	vperm.xlane v17, v1;
	s6 =	sld [smem:$0x7B7];
	v18 =	vadd.s32 v3, v58  }
0x446: {  	[tilespmem:s1], [sflag:$0x1] =	stream.indirect_vreg.gather [hbm4b:s5+s2], $0x80, v19, vm0, $0xb8;
	[tilespmem:$0x11500] =	vst v63  }
0x447: {  	v60 =	vperm.xlane v17, v9;
	s1 =	sld [smem:$0x7B8];
	v19 =	vadd.s32 v3, v59  }
0x448: {  	[tilespmem:s6], [sflag:$0x1] =	stream.indirect_vreg.gather [hbm4b:s5+s2], $0x80, v57, vm0, $0xb8;
	[tilespmem:$0x11500] =	vst v63  }
0x449: {  	v62 =	vperm.xlane v17, v10;
	v61 =	vadd.s32 v3, v60;
	s6 =	sld [smem:$0x7B9]  }
0x44a: {  	[tilespmem:s1], [sflag:$0x1] =	stream.indirect_vreg.gather [hbm4b:s5+s2], $0x80, v18, vm0, $0xb8;
	[tilespmem:$0x11500] =	vst v63  }
0x44b: {  	v63 =	vperm.xlane v17, v11;
	s1 =	sld [smem:$0x7BA];
	v18 =	vadd.s32 v3, v62  }
0x44c: {  	[tilespmem:s6], [sflag:$0x1] =	stream.indirect_vreg.gather [hbm4b:s5+s2], $0x80, v19, vm0, $0xb8;
	[tilespmem:$0x11500] =	vst v63  }
0x44d: {  	v24 =	vperm.xlane v17, v12;
	s6 =	sld [smem:$0x7BB];
	v19 =	vadd.s32 v3, v63  }
0x44e: {  	[tilespmem:s1], [sflag:$0x1] =	stream.indirect_vreg.gather [hbm4b:s5+s2], $0x80, v61, vm0, $0xb8;
	[tilespmem:$0x11500] =	vst v63  }
0x44f: {  	v26 =	vperm.xlane v17, v13;
	v25 =	vadd.s32 v3, v24;
	s1 =	sld [smem:$0x7BC]  }
0x450: {  	[tilespmem:s6], [sflag:$0x1] =	stream.indirect_vreg.gather [hbm4b:s5+s2], $0x80, v18, vm0, $0xb8;
	[tilespmem:$0x11500] =	vst v63  }
0x451: {  	v27 =	vperm.xlane v17, v14;
	s6 =	sld [smem:$0x7BD];
	v18 =	vadd.s32 v3, v26  }
0x452: {  	[tilespmem:s1], [sflag:$0x1] =	stream.indirect_vreg.gather [hbm4b:s5+s2], $0x80, v19, vm0, $0xb8;
	[tilespmem:$0x11500] =	vst v63  }
0x453: {  	v28 =	vperm.xlane v17, v15;
	s1 =	sld [smem:$0x7BE];
	v19 =	vadd.s32 v3, v27  }
0x454: {  	[tilespmem:s6], [sflag:$0x1] =	stream.indirect_vreg.gather [hbm4b:s5+s2], $0x80, v25, vm0, $0xb8;
	[tilespmem:$0x11500] =	vst v63  }
0x455: {  	v17 =	vperm.xlane v17, v16;
	v29 =	vadd.s32 v3, v28;
	s6 =	sld [smem:$0x7BF]  }
0x456: {  	[tilespmem:s1], [sflag:$0x1] =	stream.indirect_vreg.gather [hbm4b:s5+s2], $0x80, v18, vm0, $0xb8;
	[tilespmem:$0x11500] =	vst v63  }
0x457: {  	v17 =	vadd.s32 v3, v17;
	s1 =	sld [smem:$0x7C0]  }
0x458: {  	[tilespmem:s6], [sflag:$0x1] =	stream.indirect_vreg.gather [hbm4b:s5+s2], $0x80, v19, vm0, $0xb8;
	[tilespmem:$0x11500] =	vst v63  }
0x459: {  	s6 =	sld [smem:$0x7C1]  }
0x45a: {  	[tilespmem:s1], [sflag:$0x1] =	stream.indirect_vreg.gather [hbm4b:s5+s2], $0x80, v29, vm0, $0xb8;
	[tilespmem:$0x11500] =	vst v63  }
0x45b: {  	_ = 	snop  }
0x45c: {  	[tilespmem:s6], [sflag:$0x1] =	stream.indirect_vreg.gather [hbm4b:s5+s2], $0x80, v17, vm0, $0xb8;
	[tilespmem:$0x11500] =	vst v63  }
0x45d: {  	v17 =	vld [tilespmem:$0x70];
	_ =	sdelay $0x4  }
0x45e: {  	v18 =	vshrl.u32 v17, $0x3  }
0x45f: {  	v18 =	vmul.u32 $0x18, v18  }
0x460: {  	v17 =	vand.u32 $0x7, v17  }
0x461: {  	v17 =	vor.u32 v17, v18  }
0x462: {  	v18 =	vperm.xlane v17, v2;
	_ =	sdelay $0x1  }
0x463: {  	v19 =	vperm.xlane v17, v4;
	v18 =	vadd.s32 v3, v18;
	_ =	sdelay $0x1  }
0x464: {  	s1 =	sld [smem:$0x7C2];
	v30 =	vperm.xlane v17, v5;
	v19 =	vadd.s32 v3, v19;
	_ =	sdelay $0x1  }
0x465: {  	s6 =	sld [smem:$0x7C3];
	v31 =	vperm.xlane v17, v0;
	v20 =	vadd.s32 v3, v30  }
0x466: {  	[tilespmem:s1], [sflag:$0x1] =	stream.indirect_vreg.gather [hbm4b:s5+s2], $0x80, v18, vm0, $0xb8;
	[tilespmem:$0x11500] =	vst v63  }
0x467: {  	v32 =	vperm.xlane v17, v6;
	s1 =	sld [smem:$0x7C4];
	v18 =	vadd.s32 v3, v31  }
0x468: {  	[tilespmem:s6], [sflag:$0x1] =	stream.indirect_vreg.gather [hbm4b:s5+s2], $0x80, v19, vm0, $0xb8;
	[tilespmem:$0x11500] =	vst v63  }
0x469: {  	v33 =	vperm.xlane v17, v7;
	s6 =	sld [smem:$0x7C5];
	v19 =	vadd.s32 v3, v32  }
0x46a: {  	[tilespmem:s1], [sflag:$0x1] =	stream.indirect_vreg.gather [hbm4b:s5+s2], $0x80, v20, vm0, $0xb8;
	[tilespmem:$0x11500] =	vst v63  }
0x46b: {  	v35 =	vperm.xlane v17, v8;
	v34 =	vadd.s32 v3, v33;
	s1 =	sld [smem:$0x7C6]  }
0x46c: {  	[tilespmem:s6], [sflag:$0x1] =	stream.indirect_vreg.gather [hbm4b:s5+s2], $0x80, v18, vm0, $0xb8;
	[tilespmem:$0x11500] =	vst v63  }
0x46d: {  	v36 =	vperm.xlane v17, v1;
	s6 =	sld [smem:$0x7C7];
	v18 =	vadd.s32 v3, v35  }
0x46e: {  	[tilespmem:s1], [sflag:$0x1] =	stream.indirect_vreg.gather [hbm4b:s5+s2], $0x80, v19, vm0, $0xb8;
	[tilespmem:$0x11500] =	vst v63  }
0x46f: {  	v37 =	vperm.xlane v17, v9;
	s1 =	sld [smem:$0x7C8];
	v19 =	vadd.s32 v3, v36  }
0x470: {  	[tilespmem:s6], [sflag:$0x1] =	stream.indirect_vreg.gather [hbm4b:s5+s2], $0x80, v34, vm0, $0xb8;
	[tilespmem:$0x11500] =	vst v63  }
0x471: {  	v39 =	vperm.xlane v17, v10;
	v38 =	vadd.s32 v3, v37;
	s6 =	sld [smem:$0x7C9]  }
0x472: {  	[tilespmem:s1], [sflag:$0x1] =	stream.indirect_vreg.gather [hbm4b:s5+s2], $0x80, v18, vm0, $0xb8;
	[tilespmem:$0x11500] =	vst v63  }
0x473: {  	v40 =	vperm.xlane v17, v11;
	s1 =	sld [smem:$0x7CA];
	v18 =	vadd.s32 v3, v39  }
0x474: {  	[tilespmem:s6], [sflag:$0x1] =	stream.indirect_vreg.gather [hbm4b:s5+s2], $0x80, v19, vm0, $0xb8;
	[tilespmem:$0x11500] =	vst v63  }
0x475: {  	v41 =	vperm.xlane v17, v12;
	s6 =	sld [smem:$0x7CB];
	v19 =	vadd.s32 v3, v40  }
0x476: {  	[tilespmem:s1], [sflag:$0x1] =	stream.indirect_vreg.gather [hbm4b:s5+s2], $0x80, v38, vm0, $0xb8;
	[tilespmem:$0x11500] =	vst v63  }
0x477: {  	v43 =	vperm.xlane v17, v13;
	v42 =	vadd.s32 v3, v41;
	s1 =	sld [smem:$0x7CC]  }
0x478: {  	[tilespmem:s6], [sflag:$0x1] =	stream.indirect_vreg.gather [hbm4b:s5+s2], $0x80, v18, vm0, $0xb8;
	[tilespmem:$0x11500] =	vst v63  }
0x479: {  	v44 =	vperm.xlane v17, v14;
	s6 =	sld [smem:$0x7CD];
	v18 =	vadd.s32 v3, v43  }
0x47a: {  	[tilespmem:s1], [sflag:$0x1] =	stream.indirect_vreg.gather [hbm4b:s5+s2], $0x80, v19, vm0, $0xb8;
	[tilespmem:$0x11500] =	vst v63  }
0x47b: {  	v45 =	vperm.xlane v17, v15;
	s1 =	sld [smem:$0x7CE];
	v19 =	vadd.s32 v3, v44  }
0x47c: {  	[tilespmem:s6], [sflag:$0x1] =	stream.indirect_vreg.gather [hbm4b:s5+s2], $0x80, v42, vm0, $0xb8;
	[tilespmem:$0x11500] =	vst v63  }
0x47d: {  	v17 =	vperm.xlane v17, v16;
	v46 =	vadd.s32 v3, v45;
	s6 =	sld [smem:$0x7CF]  }
0x47e: {  	[tilespmem:s1], [sflag:$0x1] =	stream.indirect_vreg.gather [hbm4b:s5+s2], $0x80, v18, vm0, $0xb8;
	[tilespmem:$0x11500] =	vst v63  }
0x47f: {  	v17 =	vadd.s32 v3, v17;
	s1 =	sld [smem:$0x7D0]  }
0x480: {  	[tilespmem:s6], [sflag:$0x1] =	stream.indirect_vreg.gather [hbm4b:s5+s2], $0x80, v19, vm0, $0xb8;
	[tilespmem:$0x11500] =	vst v63  }
0x481: {  	s6 =	sld [smem:$0x7D1]  }
0x482: {  	[tilespmem:s1], [sflag:$0x1] =	stream.indirect_vreg.gather [hbm4b:s5+s2], $0x80, v46, vm0, $0xb8;
	[tilespmem:$0x11500] =	vst v63  }
0x483: {  	_ = 	snop  }
0x484: {  	[tilespmem:s6], [sflag:$0x1] =	stream.indirect_vreg.gather [hbm4b:s5+s2], $0x80, v17, vm0, $0xb8;
	[tilespmem:$0x11500] =	vst v63  }
0x485: {  	v17 =	vld [tilespmem:$0x80];
	_ =	sdelay $0x4  }
0x486: {  	v18 =	vshrl.u32 v17, $0x3  }
0x487: {  	v18 =	vmul.u32 $0x18, v18  }
0x488: {  	v17 =	vand.u32 $0x7, v17  }
0x489: {  	v17 =	vor.u32 v17, v18  }
0x48a: {  	v18 =	vperm.xlane v17, v2;
	_ =	sdelay $0x1  }
0x48b: {  	v19 =	vperm.xlane v17, v4;
	v18 =	vadd.s32 v3, v18;
	_ =	sdelay $0x1  }
0x48c: {  	s1 =	sld [smem:$0x7D2];
	v47 =	vperm.xlane v17, v5;
	v19 =	vadd.s32 v3, v19;
	_ =	sdelay $0x1  }
0x48d: {  	s6 =	sld [smem:$0x7D3];
	v48 =	vperm.xlane v17, v0;
	v20 =	vadd.s32 v3, v47  }
0x48e: {  	[tilespmem:s1], [sflag:$0x1] =	stream.indirect_vreg.gather [hbm4b:s5+s2], $0x80, v18, vm0, $0xb8;
	[tilespmem:$0x11500] =	vst v63  }
0x48f: {  	v49 =	vperm.xlane v17, v6;
	s1 =	sld [smem:$0x7D4];
	v18 =	vadd.s32 v3, v48  }
0x490: {  	[tilespmem:s6], [sflag:$0x1] =	stream.indirect_vreg.gather [hbm4b:s5+s2], $0x80, v19, vm0, $0xb8;
	[tilespmem:$0x11500] =	vst v63  }
0x491: {  	v50 =	vperm.xlane v17, v7;
	s6 =	sld [smem:$0x7D5];
	v19 =	vadd.s32 v3, v49  }
0x492: {  	[tilespmem:s1], [sflag:$0x1] =	stream.indirect_vreg.gather [hbm4b:s5+s2], $0x80, v20, vm0, $0xb8;
	[tilespmem:$0x11500] =	vst v63  }
0x493: {  	v52 =	vperm.xlane v17, v8;
	v51 =	vadd.s32 v3, v50;
	s1 =	sld [smem:$0x7D6]  }
0x494: {  	[tilespmem:s6], [sflag:$0x1] =	stream.indirect_vreg.gather [hbm4b:s5+s2], $0x80, v18, vm0, $0xb8;
	[tilespmem:$0x11500] =	vst v63  }
0x495: {  	v53 =	vperm.xlane v17, v1;
	s6 =	sld [smem:$0x7D7];
	v18 =	vadd.s32 v3, v52  }
0x496: {  	[tilespmem:s1], [sflag:$0x1] =	stream.indirect_vreg.gather [hbm4b:s5+s2], $0x80, v19, vm0, $0xb8;
	[tilespmem:$0x11500] =	vst v63  }
0x497: {  	v54 =	vperm.xlane v17, v9;
	s1 =	sld [smem:$0x7D8];
	v19 =	vadd.s32 v3, v53  }
0x498: {  	[tilespmem:s6], [sflag:$0x1] =	stream.indirect_vreg.gather [hbm4b:s5+s2], $0x80, v51, vm0, $0xb8;
	[tilespmem:$0x11500] =	vst v63  }
0x499: {  	v56 =	vperm.xlane v17, v10;
	v55 =	vadd.s32 v3, v54;
	s6 =	sld [smem:$0x7D9]  }
0x49a: {  	[tilespmem:s1], [sflag:$0x1] =	stream.indirect_vreg.gather [hbm4b:s5+s2], $0x80, v18, vm0, $0xb8;
	[tilespmem:$0x11500] =	vst v63  }
0x49b: {  	v57 =	vperm.xlane v17, v11;
	s1 =	sld [smem:$0x7DA];
	v18 =	vadd.s32 v3, v56  }
0x49c: {  	[tilespmem:s6], [sflag:$0x1] =	stream.indirect_vreg.gather [hbm4b:s5+s2], $0x80, v19, vm0, $0xb8;
	[tilespmem:$0x11500] =	vst v63  }
0x49d: {  	v58 =	vperm.xlane v17, v12;
	s6 =	sld [smem:$0x7DB];
	v19 =	vadd.s32 v3, v57  }
0x49e: {  	[tilespmem:s1], [sflag:$0x1] =	stream.indirect_vreg.gather [hbm4b:s5+s2], $0x80, v55, vm0, $0xb8;
	[tilespmem:$0x11500] =	vst v63  }
0x49f: {  	v60 =	vperm.xlane v17, v13;
	v59 =	vadd.s32 v3, v58;
	s1 =	sld [smem:$0x7DC]  }
0x4a0: {  	[tilespmem:s6], [sflag:$0x1] =	stream.indirect_vreg.gather [hbm4b:s5+s2], $0x80, v18, vm0, $0xb8;
	[tilespmem:$0x11500] =	vst v63  }
0x4a1: {  	v61 =	vperm.xlane v17, v14;
	s6 =	sld [smem:$0x7DD];
	v18 =	vadd.s32 v3, v60  }
0x4a2: {  	[tilespmem:s1], [sflag:$0x1] =	stream.indirect_vreg.gather [hbm4b:s5+s2], $0x80, v19, vm0, $0xb8;
	[tilespmem:$0x11500] =	vst v63  }
0x4a3: {  	v62 =	vperm.xlane v17, v15;
	s1 =	sld [smem:$0x7DE];
	v19 =	vadd.s32 v3, v61  }
0x4a4: {  	[tilespmem:s6], [sflag:$0x1] =	stream.indirect_vreg.gather [hbm4b:s5+s2], $0x80, v59, vm0, $0xb8;
	[tilespmem:$0x11500] =	vst v63  }
0x4a5: {  	v17 =	vperm.xlane v17, v16;
	v63 =	vadd.s32 v3, v62;
	s6 =	sld [smem:$0x7DF]  }
0x4a6: {  	[tilespmem:s1], [sflag:$0x1] =	stream.indirect_vreg.gather [hbm4b:s5+s2], $0x80, v18, vm0, $0xb8;
	[tilespmem:$0x11500] =	vst v63  }
0x4a7: {  	v17 =	vadd.s32 v3, v17;
	s1 =	sld [smem:$0x7E0]  }
0x4a8: {  	[tilespmem:s6], [sflag:$0x1] =	stream.indirect_vreg.gather [hbm4b:s5+s2], $0x80, v19, vm0, $0xb8;
	[tilespmem:$0x11500] =	vst v63  }
0x4a9: {  	s6 =	sld [smem:$0x7E1]  }
0x4aa: {  	[tilespmem:s1], [sflag:$0x1] =	stream.indirect_vreg.gather [hbm4b:s5+s2], $0x80, v63, vm0, $0xb8;
	[tilespmem:$0x11500] =	vst v63  }
0x4ab: {  	_ = 	snop  }
0x4ac: {  	[tilespmem:s6], [sflag:$0x1] =	stream.indirect_vreg.gather [hbm4b:s5+s2], $0x80, v17, vm0, $0xb8;
	[tilespmem:$0x11500] =	vst v63  }
0x4ad: {  	v17 =	vld [tilespmem:$0x90];
	_ =	sdelay $0x4  }
0x4ae: {  	v18 =	vshrl.u32 v17, $0x3  }
0x4af: {  	v18 =	vmul.u32 $0x18, v18  }
0x4b0: {  	v17 =	vand.u32 $0x7, v17  }
0x4b1: {  	v17 =	vor.u32 v17, v18  }
0x4b2: {  	v18 =	vperm.xlane v17, v2;
	_ =	sdelay $0x1  }
0x4b3: {  	v19 =	vperm.xlane v17, v4;
	v18 =	vadd.s32 v3, v18;
	_ =	sdelay $0x1  }
0x4b4: {  	s1 =	sld [smem:$0x7E2];
	v24 =	vperm.xlane v17, v5;
	v19 =	vadd.s32 v3, v19;
	_ =	sdelay $0x1  }
0x4b5: {  	s6 =	sld [smem:$0x7E3];
	v25 =	vperm.xlane v17, v0;
	v20 =	vadd.s32 v3, v24  }
0x4b6: {  	[tilespmem:s1], [sflag:$0x1] =	stream.indirect_vreg.gather [hbm4b:s5+s2], $0x80, v18, vm0, $0xb8;
	[tilespmem:$0x11500] =	vst v63  }
0x4b7: {  	v26 =	vperm.xlane v17, v6;
	s1 =	sld [smem:$0x7E4];
	v18 =	vadd.s32 v3, v25  }
0x4b8: {  	[tilespmem:s6], [sflag:$0x1] =	stream.indirect_vreg.gather [hbm4b:s5+s2], $0x80, v19, vm0, $0xb8;
	[tilespmem:$0x11500] =	vst v63  }
0x4b9: {  	v27 =	vperm.xlane v17, v7;
	s6 =	sld [smem:$0x7E5];
	v19 =	vadd.s32 v3, v26  }
0x4ba: {  	[tilespmem:s1], [sflag:$0x1] =	stream.indirect_vreg.gather [hbm4b:s5+s2], $0x80, v20, vm0, $0xb8;
	[tilespmem:$0x11500] =	vst v63  }
0x4bb: {  	v29 =	vperm.xlane v17, v8;
	v28 =	vadd.s32 v3, v27;
	s1 =	sld [smem:$0x7E6]  }
0x4bc: {  	[tilespmem:s6], [sflag:$0x1] =	stream.indirect_vreg.gather [hbm4b:s5+s2], $0x80, v18, vm0, $0xb8;
	[tilespmem:$0x11500] =	vst v63  }
0x4bd: {  	v30 =	vperm.xlane v17, v1;
	s6 =	sld [smem:$0x7E7];
	v18 =	vadd.s32 v3, v29  }
0x4be: {  	[tilespmem:s1], [sflag:$0x1] =	stream.indirect_vreg.gather [hbm4b:s5+s2], $0x80, v19, vm0, $0xb8;
	[tilespmem:$0x11500] =	vst v63  }
0x4bf: {  	v31 =	vperm.xlane v17, v9;
	s1 =	sld [smem:$0x7E8];
	v19 =	vadd.s32 v3, v30  }
0x4c0: {  	[tilespmem:s6], [sflag:$0x1] =	stream.indirect_vreg.gather [hbm4b:s5+s2], $0x80, v28, vm0, $0xb8;
	[tilespmem:$0x11500] =	vst v63  }
0x4c1: {  	v33 =	vperm.xlane v17, v10;
	v32 =	vadd.s32 v3, v31;
	s6 =	sld [smem:$0x7E9]  }
0x4c2: {  	[tilespmem:s1], [sflag:$0x1] =	stream.indirect_vreg.gather [hbm4b:s5+s2], $0x80, v18, vm0, $0xb8;
	[tilespmem:$0x11500] =	vst v63  }
0x4c3: {  	v34 =	vperm.xlane v17, v11;
	s1 =	sld [smem:$0x7EA];
	v18 =	vadd.s32 v3, v33  }
0x4c4: {  	[tilespmem:s6], [sflag:$0x1] =	stream.indirect_vreg.gather [hbm4b:s5+s2], $0x80, v19, vm0, $0xb8;
	[tilespmem:$0x11500] =	vst v63  }
0x4c5: {  	v35 =	vperm.xlane v17, v12;
	s6 =	sld [smem:$0x7EB];
	v19 =	vadd.s32 v3, v34  }
0x4c6: {  	[tilespmem:s1], [sflag:$0x1] =	stream.indirect_vreg.gather [hbm4b:s5+s2], $0x80, v32, vm0, $0xb8;
	[tilespmem:$0x11500] =	vst v63  }
0x4c7: {  	v37 =	vperm.xlane v17, v13;
	v36 =	vadd.s32 v3, v35;
	s1 =	sld [smem:$0x7EC]  }
0x4c8: {  	[tilespmem:s6], [sflag:$0x1] =	stream.indirect_vreg.gather [hbm4b:s5+s2], $0x80, v18, vm0, $0xb8;
	[tilespmem:$0x11500] =	vst v63  }
0x4c9: {  	v38 =	vperm.xlane v17, v14;
	s6 =	sld [smem:$0x7ED];
	v18 =	vadd.s32 v3, v37  }
0x4ca: {  	[tilespmem:s1], [sflag:$0x1] =	stream.indirect_vreg.gather [hbm4b:s5+s2], $0x80, v19, vm0, $0xb8;
	[tilespmem:$0x11500] =	vst v63  }
0x4cb: {  	v39 =	vperm.xlane v17, v15;
	s1 =	sld [smem:$0x7EE];
	v19 =	vadd.s32 v3, v38  }
0x4cc: {  	[tilespmem:s6], [sflag:$0x1] =	stream.indirect_vreg.gather [hbm4b:s5+s2], $0x80, v36, vm0, $0xb8;
	[tilespmem:$0x11500] =	vst v63  }
0x4cd: {  	v17 =	vperm.xlane v17, v16;
	v40 =	vadd.s32 v3, v39;
	s6 =	sld [smem:$0x7EF]  }
0x4ce: {  	[tilespmem:s1], [sflag:$0x1] =	stream.indirect_vreg.gather [hbm4b:s5+s2], $0x80, v18, vm0, $0xb8;
	[tilespmem:$0x11500] =	vst v63  }
0x4cf: {  	v17 =	vadd.s32 v3, v17;
	s1 =	sld [smem:$0x7F0]  }
0x4d0: {  	[tilespmem:s6], [sflag:$0x1] =	stream.indirect_vreg.gather [hbm4b:s5+s2], $0x80, v19, vm0, $0xb8;
	[tilespmem:$0x11500] =	vst v63  }
0x4d1: {  	s6 =	sld [smem:$0x7F1]  }
0x4d2: {  	[tilespmem:s1], [sflag:$0x1] =	stream.indirect_vreg.gather [hbm4b:s5+s2], $0x80, v40, vm0, $0xb8;
	[tilespmem:$0x11500] =	vst v63  }
0x4d3: {  	_ = 	snop  }
0x4d4: {  	[tilespmem:s6], [sflag:$0x1] =	stream.indirect_vreg.gather [hbm4b:s5+s2], $0x80, v17, vm0, $0xb8;
	[tilespmem:$0x11500] =	vst v63  }
0x4d5: {  	v17 =	vld [tilespmem:$0xA0];
	_ =	sdelay $0x4  }
0x4d6: {  	v18 =	vshrl.u32 v17, $0x3  }
0x4d7: {  	v18 =	vmul.u32 $0x18, v18  }
0x4d8: {  	v17 =	vand.u32 $0x7, v17  }
0x4d9: {  	v17 =	vor.u32 v17, v18  }
0x4da: {  	v18 =	vperm.xlane v17, v2;
	_ =	sdelay $0x1  }
0x4db: {  	v19 =	vperm.xlane v17, v4;
	v18 =	vadd.s32 v3, v18;
	_ =	sdelay $0x1  }
0x4dc: {  	s1 =	sld [smem:$0x7F2];
	v41 =	vperm.xlane v17, v5;
	v19 =	vadd.s32 v3, v19;
	_ =	sdelay $0x1  }
0x4dd: {  	s6 =	sld [smem:$0x7F3];
	v42 =	vperm.xlane v17, v0;
	v20 =	vadd.s32 v3, v41  }
0x4de: {  	[tilespmem:s1], [sflag:$0x1] =	stream.indirect_vreg.gather [hbm4b:s5+s2], $0x80, v18, vm0, $0xb8;
	[tilespmem:$0x11500] =	vst v63  }
0x4df: {  	v43 =	vperm.xlane v17, v6;
	s1 =	sld [smem:$0x7F4];
	v18 =	vadd.s32 v3, v42  }
0x4e0: {  	[tilespmem:s6], [sflag:$0x1] =	stream.indirect_vreg.gather [hbm4b:s5+s2], $0x80, v19, vm0, $0xb8;
	[tilespmem:$0x11500] =	vst v63  }
0x4e1: {  	v44 =	vperm.xlane v17, v7;
	s6 =	sld [smem:$0x7F5];
	v19 =	vadd.s32 v3, v43  }
0x4e2: {  	[tilespmem:s1], [sflag:$0x1] =	stream.indirect_vreg.gather [hbm4b:s5+s2], $0x80, v20, vm0, $0xb8;
	[tilespmem:$0x11500] =	vst v63  }
0x4e3: {  	v46 =	vperm.xlane v17, v8;
	v45 =	vadd.s32 v3, v44;
	s1 =	sld [smem:$0x7F6]  }
0x4e4: {  	[tilespmem:s6], [sflag:$0x1] =	stream.indirect_vreg.gather [hbm4b:s5+s2], $0x80, v18, vm0, $0xb8;
	[tilespmem:$0x11500] =	vst v63  }
0x4e5: {  	v47 =	vperm.xlane v17, v1;
	s6 =	sld [smem:$0x7F7];
	v18 =	vadd.s32 v3, v46  }
0x4e6: {  	[tilespmem:s1], [sflag:$0x1] =	stream.indirect_vreg.gather [hbm4b:s5+s2], $0x80, v19, vm0, $0xb8;
	[tilespmem:$0x11500] =	vst v63  }
0x4e7: {  	v48 =	vperm.xlane v17, v9;
	s1 =	sld [smem:$0x7F9];
	v19 =	vadd.s32 v3, v47  }
0x4e8: {  	[tilespmem:s6], [sflag:$0x1] =	stream.indirect_vreg.gather [hbm4b:s5+s2], $0x80, v45, vm0, $0xb8;
	[tilespmem:$0x11500] =	vst v63  }
0x4e9: {  	v50 =	vperm.xlane v17, v10;
	v49 =	vadd.s32 v3, v48;
	s6 =	sld [smem:$0x7FA]  }
0x4ea: {  	[tilespmem:s1], [sflag:$0x1] =	stream.indirect_vreg.gather [hbm4b:s5+s2], $0x80, v18, vm0, $0xb8;
	[tilespmem:$0x11500] =	vst v63  }
0x4eb: {  	v51 =	vperm.xlane v17, v11;
	s1 =	sld [smem:$0x7FC];
	v18 =	vadd.s32 v3, v50  }
0x4ec: {  	[tilespmem:s6], [sflag:$0x1] =	stream.indirect_vreg.gather [hbm4b:s5+s2], $0x80, v19, vm0, $0xb8;
	[tilespmem:$0x11500] =	vst v63  }
0x4ed: {  	v52 =	vperm.xlane v17, v12;
	s6 =	sld [smem:$0x7FD];
	v19 =	vadd.s32 v3, v51  }
0x4ee: {  	[tilespmem:s1], [sflag:$0x1] =	stream.indirect_vreg.gather [hbm4b:s5+s2], $0x80, v49, vm0, $0xb8;
	[tilespmem:$0x11500] =	vst v63  }
0x4ef: {  	v54 =	vperm.xlane v17, v13;
	v53 =	vadd.s32 v3, v52  }
0x4f0: {  	[tilespmem:s6], [sflag:$0x1] =	stream.indirect_vreg.gather [hbm4b:s5+s2], $0x80, v18, vm0, $0xb8;
	[tilespmem:$0x11500] =	vst v63  }
0x4f1: {  	v55 =	vperm.xlane v17, v14;
	v18 =	vadd.s32 v3, v54  }
0x4f2: {  	[tilespmem:s26], [sflag:$0x1] =	stream.indirect_vreg.gather [hbm4b:s5+s2], $0x80, v19, vm0, $0xb8;
	[tilespmem:$0x11500] =	vst v63  }
0x4f3: {  	v56 =	vperm.xlane v17, v15;
	v19 =	vadd.s32 v3, v55  }
0x4f4: {  	[tilespmem:s28], [sflag:$0x1] =	stream.indirect_vreg.gather [hbm4b:s5+s2], $0x80, v53, vm0, $0xb8;
	[tilespmem:$0x11500] =	vst v63  }
0x4f5: {  	v17 =	vperm.xlane v17, v16;
	v57 =	vadd.s32 v3, v56  }
0x4f6: {  	[tilespmem:s25], [sflag:$0x1] =	stream.indirect_vreg.gather [hbm4b:s5+s2], $0x80, v18, vm0, $0xb8;
	[tilespmem:$0x11500] =	vst v63  }
0x4f7: {  	v17 =	vadd.s32 v3, v17  }
0x4f8: {  	[tilespmem:s16], [sflag:$0x1] =	stream.indirect_vreg.gather [hbm4b:s5+s2], $0x80, v19, vm0, $0xb8;
	[tilespmem:$0x11500] =	vst v63  }
0x4f9: {  	_ = 	snop  }
0x4fa: {  	[tilespmem:s22], [sflag:$0x1] =	stream.indirect_vreg.gather [hbm4b:s5+s2], $0x80, v57, vm0, $0xb8;
	[tilespmem:$0x11500] =	vst v63  }
0x4fb: {  	_ = 	snop  }
0x4fc: {  	[tilespmem:s24], [sflag:$0x1] =	stream.indirect_vreg.gather [hbm4b:s5+s2], $0x80, v17, vm0, $0xb8;
	[tilespmem:$0x11500] =	vst v63  }
0x4fd: {  	v17 =	vld.msk [tilespmem:$0xB0], $0xff;
	_ =	sdelay $0x4  }
0x4fe: {  	v18 =	vshrl.u32 v17, $0x3  }
0x4ff: {  	v18 =	vmul.u32 $0x18, v18  }
0x500: {  	v17 =	vand.u32 $0x7, v17  }
0x501: {  	v17 =	vor.u32 v17, v18  }
0x502: {  	v18 =	vperm.xlane v17, v2;
	_ =	sdelay $0x1  }
0x503: {  	v19 =	vperm.xlane v17, v4;
	v18 =	vadd.s32 v3, v18;
	_ =	sdelay $0x1  }
0x504: {  	v58 =	vperm.xlane v17, v5;
	v19 =	vadd.s32 v3, v19;
	_ =	sdelay $0x1  }
0x505: {  	v59 =	vperm.xlane v17, v0;
	v20 =	vadd.s32 v3, v58  }
0x506: {  	[tilespmem:s23], [sflag:$0x1] =	stream.indirect_vreg.gather [hbm4b:s5+s2], $0x80, v18, vm0, $0xb8;
	[tilespmem:$0x11500] =	vst v63  }
0x507: {  	v60 =	vperm.xlane v17, v6;
	v18 =	vadd.s32 v3, v59  }
0x508: {  	[tilespmem:s20], [sflag:$0x1] =	stream.indirect_vreg.gather [hbm4b:s5+s2], $0x80, v19, vm0, $0xb8;
	[tilespmem:$0x11500] =	vst v63  }
0x509: {  	v61 =	vperm.xlane v17, v7;
	v19 =	vadd.s32 v3, v60  }
0x50a: {  	[tilespmem:s21], [sflag:$0x1] =	stream.indirect_vreg.gather [hbm4b:s5+s2], $0x80, v20, vm0, $0xb8;
	[tilespmem:$0x11500] =	vst v63  }
0x50b: {  	v63 =	vperm.xlane v17, v8;
	v62 =	vadd.s32 v3, v61  }
0x50c: {  	[tilespmem:s19], [sflag:$0x1] =	stream.indirect_vreg.gather [hbm4b:s5+s2], $0x80, v18, vm0, $0xb8;
	[tilespmem:$0x11500] =	vst v63  }
0x50d: {  	v17 =	vperm.xlane v17, v1;
	v18 =	vadd.s32 v3, v63  }
0x50e: {  	[tilespmem:s17], [sflag:$0x1] =	stream.indirect_vreg.gather [hbm4b:s5+s2], $0x80, v19, vm0, $0xb8;
	[tilespmem:$0x11500] =	vst v63  }
0x50f: {  	v17 =	vadd.s32 v3, v17  }
0x510: {  	[tilespmem:s18], [sflag:$0x1] =	stream.indirect_vreg.gather [hbm4b:s5+s2], $0x80, v62, vm0, $0xb8;
	[tilespmem:$0x11500] =	vst v63  }
0x511: {  	_ = 	snop  }
0x512: {  	[tilespmem:s14], [sflag:$0x1] =	stream.indirect_vreg.gather [hbm4b:s5+s2], $0x80, v18, vm0, $0xb8;
	[tilespmem:$0x11500] =	vst v63  }
0x513: {  	_ = 	snop  }
0x514: {  	[tilespmem:s15], [sflag:$0x1] =	stream.indirect_vreg.gather [hbm4b:s5+s2], $0x80, v17, vm0, $0xb8;
	[tilespmem:$0x11500] =	vst v63  }
0x515: {  	_ = 	snop  }
0x516: {  	[tilespmem:s11], [sflag:$0x1] =	stream.indirect.gather [hbm4b:s4+s13], $0x80, s2, s13, $0xb8;
	[tilespmem:$0x11500] =	vst v63  }
0x517: {  	_ = 	snop  }
0x518: {  	[tilespmem:s10], [sflag:$0x1] =	stream.indirect.gather [hbm4b:s4+s12], $0x80, s13, s12, $0xb8;
	[tilespmem:$0x11500] =	vst v63  }
0x519: {  	_ =	swait.ge [sflag:s29], $0x3000  }
0x51a: {  	[sflag:s29] =	ssyncset.done $0x0  }
0x51b: {  	[sflag:s29] =	ssyncadd.s32 $0xFFFFD000  }
0x51c: {  	_ =	swait.ge [sflag:s29], $0x2C00  }
0x51d: {  	[sflag:s29] =	ssyncset.done $0x0  }
0x51e: {  	[sflag:s29] =	ssyncadd.s32 $0xFFFFD400  }
0x51f: {  	_ =	swait.ge [sflag:s29], $0x3000  }
0x520: {  	[sflag:s29] =	ssyncset.done $0x0  }
0x521: {  	[sflag:s29] =	ssyncadd.s32 $0xFFFFD000  }
0x522: {  	_ =	swait.ge [sflag:s29], $0x2C00  }
0x523: {  	[sflag:s29] =	ssyncset.done $0x0  }
0x524: {  	[sflag:s29] =	ssyncadd.s32 $0xFFFFD400  }
0x525: {  	_ =	swait.ge [sflag:s29], $0x3000  }
0x526: {  	s0 =	sadd.s32 $0x18, s0;
	[sflag:s29] =	ssyncset.done $0x0  }
0x527: {  	p0 =	sne.s32 s0, $0x300;
	[sflag:s29] =	ssyncadd.s32 $0xFFFFD000  }
.Ltmp0:
0x528: {  	_ =	swait.ge [sflag:s29], $0x2C00;
	(pc) =	sbr.rel @p0 .LBB2_2-.Ltmp0, $4  }
0x529: {  	[sflag:s29] =	ssyncset.done $0x0  }
0x52a: {  	[sflag:s29] =	ssyncadd.s32 $0xFFFFD400  }
0x52b: {  	[hbm4b:s7+s2] =	stream.linear.scatter [tilespmem:s9], [sflag:$0x2], $0x11400, $0x38;
	[tilespmem:$0x11500] =	vst v63  }
0x52c: {  	s7 =	sadd.s32 $0x2280, s7  }
0x52d: {  	_ =	swait.ge [sflag:s30], $0x11400  }
0x52e: {  	s0 =	sld [smem:$0x7F8];
	_ =	sdelay $0x1  }
0x52f: {  	s31 =	sadd.s32 $0x1, s31  }
0x530: {  	p0 =	sne.s32 s31, s0  }
.Ltmp1:
0x531: {  	_ = 	snop;
	(pc) =	sbr.rel @p0 .LBB2_1-.Ltmp1, $3  }
0x532: {  	_ =	sdelay $0x1  }
0x533: {  	[sflag:s30] =	ssyncset.done $0x0  }
0x534: {  	[sflag:s30] =	ssyncadd.s32 $0xFFFEEC00  }
0x535: {  	_ =	sfence.sel $0x180000  }
0x536: {  	[bflag:$0x0] =	sbarrier.arrive $0xFFFF  }
0x537: {  	_ =	strace $0x90000047  }
0x538: {  	s0 =	stileid.u32;
	[bflag:$0x2] =	sbarrier.arrive $0xFFFF  }
0x539: {  	p0 =	sne.s32 s0, $0x0;
	s0 =	rddreg [dreg:$0x2]  }
0x53a: {  	s0 =	sadd.s32 @!p0 $0x100000, s0  }
0x53b: {  	[sflag:s0] =	ssyncadd.tile.s32 @!p0 $0x1;
	_ =	shalt  }
.Lfunc_end2:
_tile_overlayer_lowered:
.L_overlay_start_2:
0x53c: {  	(tag) =	ssettag $0x2  }
0x53d: {  	s0 =	rddreg [dreg:$0x0];
	s2 =	stileid.u32  }
0x53e: {  	s1 =	rddreg [dreg:$0x1];
	p0 =	sne.s32 s2, $0x0  }
0x53f: {  	s3 =	rddreg [dreg:$0x2];
	[bflag:$0x3] =	sbarrier.arrive $0xFFFF;
	s2 =	simm.s32 @!p0 $0x1C03  }
0x540: {  	[timem:s3], [sflag:s2] =	dma.local @!p0 [hbm:s0], s1  }
0x541: {  	s0 =	simm.s32 @!p0 $0x3  }
0x542: {  	_ =	swait.ge @!p0 [sflag:s0], s1  }
0x543: {  	s1 =	ssub.s32 @!p0 $0x0, s1;
	[sflag:s0] =	ssyncset.done @!p0 $0x0  }
0x544: {  	[sflag:s0] =	ssyncadd.s32 @!p0 s1  }
0x545: {  	[bflag:$0x3] =	sbarrier.arrive $0xFFFF  }
0x546: {  	_ =	shalt  }

</sc_bundles>
